<compile_context>
chip_gen: v7x
topology: tpu7x:2x2x1
jax: 0.10.2.dev20260603
libtpu: 0.0.44.dev20260713+nightly
codegen_flags: <defaults>
</compile_context>

<pallas_src>
import functools

import jax
import jax.numpy as jnp
from jax import lax
from jax.experimental import pallas as pl
from jax.experimental.pallas import tpu as pltpu
from jax.experimental.pallas import tpu_sc as plsc

TEMPERATURE = 0.5
BIAS = 0.0001

NC = 2
NS = 16
NW = NC * NS
LANES = 16

GRID = 10
DIV_MUL = 67109
DIV_SHIFT = 26



def _tc_body(x_ref, relT_ref, eps_ref,
             sw1_ref, sb1_ref, sw2_ref, sb2_ref,
             dw1_ref, db1_ref, dw2_ref, db2_ref,
             ew1_ref, eb1c_ref, ew2_ref, eb2_ref,
             scores_ref, ge_ref):
    nblk = scores_ref.shape[2]
    eblk = ge_ref.shape[2]
    x = x_ref[...]
    hs = jnp.maximum(
        jnp.dot(x, sw1_ref[...], preferred_element_type=jnp.float32)
        + sb1_ref[...], 0.0)
    ss = lax.dot_general(sw2_ref[...], hs, (((0,), (1,)), ((), ())),
                         preferred_element_type=jnp.float32)
    hd = jnp.maximum(
        jnp.dot(x, dw1_ref[...], preferred_element_type=jnp.float32)
        + db1_ref[...], 0.0)
    sd = lax.dot_general(dw2_ref[...], hd, (((0,), (1,)), ((), ())),
                         preferred_element_type=jnp.float32)
    sc = jnp.concatenate([ss + sb2_ref[...], sd + db2_ref[...]], axis=0)
    scores_ref[...] = sc.reshape(1, 2, nblk)

    hT = jnp.maximum(
        lax.dot_general(ew1_ref[...], relT_ref[...], (((0,), (0,)), ((), ())),
                        preferred_element_type=jnp.float32)
        + eb1c_ref[...], 0.0)
    er = lax.dot_general(ew2_ref[...], hT, (((0,), (0,)), ((), ())),
                         preferred_element_type=jnp.float32)
    eps = eps_ref[0]
    gr = jnp.log(eps) - jnp.log(1.0 - eps)
    ge_ref[...] = (er + eb2_ref[...] + gr).reshape(1, 1, eblk)


def _tc_mlps(node_emb, relT, eps3,
             src_w1, src_b1, src_w2, src_b2,
             dst_w1, dst_b1, dst_w2, dst_b2,
             edge_w1, edge_b1c, edge_w2, edge_b2):
    n, d = node_emb.shape
    de, e = relT.shape
    h = src_w1.shape[1]
    nblk = n // GRID
    eblk = e // GRID
    full = lambda i: (0, 0)
    full1 = lambda i: (0,)
    return pl.pallas_call(
        _tc_body,
        grid=(GRID,),
        in_specs=[
            pl.BlockSpec((nblk, d), lambda i: (i, 0)),
            pl.BlockSpec((de, eblk), lambda i: (0, i)),
            pl.BlockSpec((1, 1, eblk), lambda i: (i, 0, 0)),
            pl.BlockSpec((d, h), full), pl.BlockSpec((h,), full1),
            pl.BlockSpec((h, 1), full), pl.BlockSpec((1,), full1),
            pl.BlockSpec((d, h), full), pl.BlockSpec((h,), full1),
            pl.BlockSpec((h, 1), full), pl.BlockSpec((1,), full1),
            pl.BlockSpec((de, h), full), pl.BlockSpec((h, 1), full),
            pl.BlockSpec((h, 1), full), pl.BlockSpec((1,), full1),
        ],
        out_specs=[
            pl.BlockSpec((1, 2, nblk), lambda i: (i, 0, 0)),
            pl.BlockSpec((1, 1, eblk), lambda i: (i, 0, 0)),
        ],
        out_shape=[
            jax.ShapeDtypeStruct((GRID, 2, nblk), jnp.float32),
            jax.ShapeDtypeStruct((GRID, 1, eblk), jnp.float32),
        ],
    )(node_emb, relT, eps3,
      src_w1, src_b1, src_w2, src_b2,
      dst_w1, dst_b1, dst_w2, dst_b2,
      edge_w1, edge_b1c, edge_w2, edge_b2)



def _sc_gather_gate(scores_flat, ei_flat, ge, nblk):
    n2 = scores_flat.shape[0]
    e = ei_flat.shape[0] // 2
    ch = e // NW
    full = (ch // LANES) * LANES
    tail = ch - full
    mesh = plsc.VectorSubcoreMesh(
        core_axis_name="c", subcore_axis_name="s",
        num_cores=NC, num_subcores=NS)

    @functools.partial(
        pl.kernel,
        out_type=[
            jax.ShapeDtypeStruct((e,), jnp.float32),
            jax.ShapeDtypeStruct((NW * LANES,), jnp.float32),
        ],
        mesh=mesh,
        compiler_params=pltpu.CompilerParams(needs_layout_passes=False),
        scratch_types=[
            pltpu.VMEM((n2,), jnp.float32),
            pltpu.VMEM((ch,), jnp.int32),
            pltpu.VMEM((ch,), jnp.int32),
            pltpu.VMEM((ch,), jnp.float32),
            pltpu.VMEM((ch,), jnp.float32),
            pltpu.VMEM((LANES,), jnp.float32),
            pltpu.SemaphoreType.DMA,
            pltpu.SemaphoreType.DMA,
            pltpu.SemaphoreType.DMA,
            pltpu.SemaphoreType.DMA,
        ],
    )
    def sc_kernel(scores_hbm, ei_hbm, ge_hbm, aug_hbm, part_hbm,
                  table_v, src_v, dst_v, ge_v, aug_v, acc_v,
                  sem0, sem1, sem2, sem3):
        c = lax.axis_index("c")
        s = lax.axis_index("s")
        wid = s * NC + c
        base = wid * ch
        cp0 = pltpu.async_copy(scores_hbm, table_v, sem0)
        cp1 = pltpu.async_copy(ei_hbm.at[pl.ds(base, ch)], src_v, sem1)
        cp2 = pltpu.async_copy(ei_hbm.at[pl.ds(e + base, ch)], dst_v, sem2)
        cp3 = pltpu.async_copy(ge_hbm.at[pl.ds(base, ch)], ge_v, sem3)
        cp0.wait()
        cp1.wait()
        cp2.wait()
        cp3.wait()

        def gate16(off):
            sidx = src_v[pl.ds(off, LANES)]
            didx = dst_v[pl.ds(off, LANES)]
            qs = (sidx * DIV_MUL) >> DIV_SHIFT
            qd = (didx * DIV_MUL) >> DIV_SHIFT
            ws = plsc.load_gather(table_v, [sidx + qs * nblk])
            wd = plsc.load_gather(table_v, [didx + qd * nblk + nblk])
            x = (ws + wd + ge_v[pl.ds(off, LANES)]) * (1.0 / TEMPERATURE)
            return 1.0 / (1.0 + jnp.exp(-x))

        UNROLL = 4
        def body(i, acc):
            for j in range(UNROLL):
                off = (i * UNROLL + j) * LANES
                a = gate16(off)
                aug_v[pl.ds(off, LANES)] = a
                acc = acc + a
            return acc

        acc = lax.fori_loop(0, full // (LANES * UNROLL), body,
                            jnp.zeros((LANES,), jnp.float32))
        for k in range(full // (LANES * UNROLL) * UNROLL, full // LANES):
            off = k * LANES
            a = gate16(off)
            aug_v[pl.ds(off, LANES)] = a
            acc = acc + a
        if tail:
            off = ch - LANES
            a = gate16(off)
            aug_v[pl.ds(off, LANES)] = a
            lane = lax.iota(jnp.int32, LANES)
            acc = acc + jnp.where(lane >= (LANES - tail), a, 0.0)
        acc_v[...] = acc
        pltpu.sync_copy(aug_v, aug_hbm.at[pl.ds(base, ch)])
        pltpu.sync_copy(acc_v, part_hbm.at[pl.ds(wid * LANES, LANES)])

    return sc_kernel(scores_flat, ei_flat, ge)



def kernel(node_emb, edge_index, relation_emb,
           src_w1, src_b1, src_w2, src_b2,
           dst_w1, dst_b1, dst_w2, dst_b2,
           edge_w1, edge_b1, edge_w2, edge_b2):
    n = node_emb.shape[0]
    e = edge_index.shape[1]

    u = jax.random.uniform(jax.random.key(12345), (e,), jnp.float32)
    eps = (BIAS - (1.0 - BIAS)) * u + (1.0 - BIAS)
    eps3 = eps.reshape(GRID, 1, e // GRID)

    scores, ge3 = _tc_mlps(node_emb, relation_emb.T, eps3,
                           src_w1, src_b1, src_w2, src_b2,
                           dst_w1, dst_b1, dst_w2, dst_b2,
                           edge_w1, edge_b1.reshape(-1, 1), edge_w2, edge_b2)

    aug, partials = _sc_gather_gate(scores.reshape(2 * n),
                                    edge_index.reshape(2 * e),
                                    ge3.reshape(e), n // GRID)

    reg = 1.0 - jnp.sum(partials) / e
    return (reg, aug)

# --- scband reference (transcript-rebuilt; emitter-appended) ---
"""Pipeline reference for scband-drop-learner-28200755266070 (READ-ONLY COPY).

The authoritative reference and input builder live on the scoring server;
editing this copy changes nothing except your own understanding.
"""

import jax, jax.numpy as jnp
import numpy as np

N, E, D, DE, H = 10000, 160000, 256, 16, 64
TEMPERATURE = 0.5


def _xavier(k, shape):
    fan_in, fan_out = shape
    lim = (6.0 / (fan_in + fan_out)) ** 0.5
    return jax.random.uniform(k, shape, jnp.float32, -lim, lim)


def _mlp(x, w1, b1, w2, b2):
    h = jnp.maximum(jnp.dot(x, w1) + b1, 0.0)
    return jnp.dot(h, w2) + b2


def setup_inputs(seed: int = 0) -> dict:
    key = jax.random.key(seed)
    ks = jax.random.split(key, 16)
    inp = {
        "node_emb": jax.random.normal(ks[0], (N, D), jnp.float32),
        "edge_index": jax.random.randint(ks[1], (2, E), 0, N, dtype=jnp.int32),
        "relation_emb": jax.random.normal(ks[2], (E, DE), jnp.float32),
        # mlp_src params
        "src_w1": _xavier(ks[3], (D, H)), "src_b1": jnp.zeros((H,), jnp.float32),
        "src_w2": _xavier(ks[4], (H, 1)), "src_b2": jnp.zeros((1,), jnp.float32),
        # mlp_dst params
        "dst_w1": _xavier(ks[5], (D, H)), "dst_b1": jnp.zeros((H,), jnp.float32),
        "dst_w2": _xavier(ks[6], (H, 1)), "dst_b2": jnp.zeros((1,), jnp.float32),
        # mlp_edge params
        "edge_w1": _xavier(ks[7], (DE, H)), "edge_b1": jnp.zeros((H,), jnp.float32),
        "edge_w2": _xavier(ks[8], (H, 1)), "edge_b2": jnp.zeros((1,), jnp.float32),
    }
    return inp


def reference(node_emb, edge_index, relation_emb,
              src_w1, src_b1, src_w2, src_b2,
              dst_w1, dst_b1, dst_w2, dst_b2,
              edge_w1, edge_b1, edge_w2, edge_b2):
    # Per-node scalar scores from src/dst MLPs
    w_src = _mlp(node_emb, src_w1, src_b1, src_w2, src_b2)  # [N, 1]
    w_dst = _mlp(node_emb, dst_w1, dst_b1, dst_w2, dst_b2)  # [N, 1]
    src, dst = edge_index[0], edge_index[1]
    # DGL u_add_v: gather per-node scores to edges and add
    n_weight = jnp.take(w_src, src, axis=0) + jnp.take(w_dst, dst, axis=0)  # [E, 1]
    # edge/relation contribution
    e_weight = _mlp(relation_emb, edge_w1, edge_b1, edge_w2, edge_b2)  # [E, 1]
    weight = jnp.squeeze(n_weight + e_weight, axis=-1)  # [E]
    # concrete-relaxation gate (gumbel-sigmoid with uniform eps)
    bias = 0.0 + 0.0001
    eps_key = jax.random.key(12345)
    u = jax.random.uniform(eps_key, weight.shape, jnp.float32)
    eps = (bias - (1.0 - bias)) * u + (1.0 - bias)
    gate_inputs = jnp.log(eps) - jnp.log(1.0 - eps)
    gate_inputs = (gate_inputs + weight) / TEMPERATURE
    aug_edge_weight = jax.nn.sigmoid(gate_inputs)  # [E]
    edge_drop_out_prob = 1.0 - aug_edge_weight
    reg = jnp.mean(edge_drop_out_prob)
    return (reg, aug_edge_weight)

if __name__ == "__main__":
    import jax
    _d = setup_inputs()
    print(jax.jit(kernel)(*tuple(_d.values())))

</pallas_src>

<mosaic_0001>
#map = affine_map<(d0, d1) -> (0)>
module attributes {stable_mosaic.version = 14 : i64} {
  func.func @sc_kernel(%arg0: i32, %arg1: i32, %arg2: memref<20000xf32, #tpu.memory_space<hbm>>, %arg3: memref<320000xi32, #tpu.memory_space<hbm>>, %arg4: memref<160000xf32, #tpu.memory_space<hbm>>, %arg5: memref<160000xf32, #tpu.memory_space<hbm>>, %arg6: memref<512xf32, #tpu.memory_space<hbm>>, %arg7: memref<20000xf32, #tpu.memory_space<vmem>>, %arg8: memref<5000xi32, #tpu.memory_space<vmem>>, %arg9: memref<5000xi32, #tpu.memory_space<vmem>>, %arg10: memref<5000xf32, #tpu.memory_space<vmem>>, %arg11: memref<5000xf32, #tpu.memory_space<vmem>>, %arg12: memref<16xf32, #tpu.memory_space<vmem>>, %arg13: memref<!tpu.dma_semaphore, #tpu.memory_space<semaphore_mem>>, %arg14: memref<!tpu.dma_semaphore, #tpu.memory_space<semaphore_mem>>, %arg15: memref<!tpu.dma_semaphore, #tpu.memory_space<semaphore_mem>>, %arg16: memref<!tpu.dma_semaphore, #tpu.memory_space<semaphore_mem>>) attributes {dimension_semantics = [#tpu.dimension_semantics<core_parallel>, #tpu.dimension_semantics<subcore_parallel>], iteration_bounds = array<i64: 2, 16>, scalar_prefetch = 0 : i64, scratch_operands = 10 : i64, tpu.core_type = #tpu.core_type<sc_vector_subcore>, window_params = [{transform_indices = #map}, {transform_indices = #map}, {transform_indices = #map}, {transform_indices = #map}, {transform_indices = #map}]} {
    %mul3A = arith.constant 2 : i32
    %mul3A_0 = arith.muli %arg1, %mul3A : i32
    %add3A = arith.addi %mul3A_0, %arg0 : i32
    %mul3A_1 = arith.constant 5000 : i32
    %mul3A_2 = arith.muli %add3A, %mul3A_1 : i32
    tpu.enqueue_dma source(%arg2 : memref<20000xf32, #tpu.memory_space<hbm>>) target(%arg7 : memref<20000xf32, #tpu.memory_space<vmem>>) target_semaphore(%arg13 : memref<!tpu.dma_semaphore, #tpu.memory_space<semaphore_mem>>)
    %dma_start3A = tpu.memref_slice %arg3[%mul3A_2] : memref<320000xi32, #tpu.memory_space<hbm>> -> memref<5000xi32, #tpu.memory_space<hbm>>
    %dma_start3A_3 = tpu.memref_slice %arg3[%mul3A_2] : memref<320000xi32, #tpu.memory_space<hbm>> -> memref<5000xi32, #tpu.memory_space<hbm>>
    tpu.enqueue_dma source(%dma_start3A_3 : memref<5000xi32, #tpu.memory_space<hbm>>) target(%arg8 : memref<5000xi32, #tpu.memory_space<vmem>>) target_semaphore(%arg14 : memref<!tpu.dma_semaphore, #tpu.memory_space<semaphore_mem>>)
    %add3A_4 = arith.constant 160000 : i32
    %add3A_5 = arith.addi %add3A_4, %mul3A_2 : i32
    %dma_start3A_6 = tpu.memref_slice %arg3[%add3A_5] : memref<320000xi32, #tpu.memory_space<hbm>> -> memref<5000xi32, #tpu.memory_space<hbm>>
    %dma_start3A_7 = tpu.memref_slice %arg3[%add3A_5] : memref<320000xi32, #tpu.memory_space<hbm>> -> memref<5000xi32, #tpu.memory_space<hbm>>
    tpu.enqueue_dma source(%dma_start3A_7 : memref<5000xi32, #tpu.memory_space<hbm>>) target(%arg9 : memref<5000xi32, #tpu.memory_space<vmem>>) target_semaphore(%arg15 : memref<!tpu.dma_semaphore, #tpu.memory_space<semaphore_mem>>)
    %dma_start3A_8 = tpu.memref_slice %arg4[%mul3A_2] : memref<160000xf32, #tpu.memory_space<hbm>> -> memref<5000xf32, #tpu.memory_space<hbm>>
    %dma_start3A_9 = tpu.memref_slice %arg4[%mul3A_2] : memref<160000xf32, #tpu.memory_space<hbm>> -> memref<5000xf32, #tpu.memory_space<hbm>>
    tpu.enqueue_dma source(%dma_start3A_9 : memref<5000xf32, #tpu.memory_space<hbm>>) target(%arg10 : memref<5000xf32, #tpu.memory_space<vmem>>) target_semaphore(%arg16 : memref<!tpu.dma_semaphore, #tpu.memory_space<semaphore_mem>>)
    tpu.wait_dma2 semaphore(%arg13 : memref<!tpu.dma_semaphore, #tpu.memory_space<semaphore_mem>>) src(%arg2 : memref<20000xf32, #tpu.memory_space<hbm>>) dst(%arg7 : memref<20000xf32, #tpu.memory_space<vmem>>)
    %dma_wait3A = tpu.memref_slice %arg3[%mul3A_2] : memref<320000xi32, #tpu.memory_space<hbm>> -> memref<5000xi32, #tpu.memory_space<hbm>>
    %dma_wait3A_10 = tpu.memref_slice %arg3[%mul3A_2] : memref<320000xi32, #tpu.memory_space<hbm>> -> memref<5000xi32, #tpu.memory_space<hbm>>
    tpu.wait_dma2 semaphore(%arg14 : memref<!tpu.dma_semaphore, #tpu.memory_space<semaphore_mem>>) src(%dma_wait3A_10 : memref<5000xi32, #tpu.memory_space<hbm>>) dst(%arg8 : memref<5000xi32, #tpu.memory_space<vmem>>)
    %dma_wait3A_11 = tpu.memref_slice %arg3[%add3A_5] : memref<320000xi32, #tpu.memory_space<hbm>> -> memref<5000xi32, #tpu.memory_space<hbm>>
    %dma_wait3A_12 = tpu.memref_slice %arg3[%add3A_5] : memref<320000xi32, #tpu.memory_space<hbm>> -> memref<5000xi32, #tpu.memory_space<hbm>>
    tpu.wait_dma2 semaphore(%arg15 : memref<!tpu.dma_semaphore, #tpu.memory_space<semaphore_mem>>) src(%dma_wait3A_12 : memref<5000xi32, #tpu.memory_space<hbm>>) dst(%arg9 : memref<5000xi32, #tpu.memory_space<vmem>>)
    %dma_wait3A_13 = tpu.memref_slice %arg4[%mul3A_2] : memref<160000xf32, #tpu.memory_space<hbm>> -> memref<5000xf32, #tpu.memory_space<hbm>>
    %dma_wait3A_14 = tpu.memref_slice %arg4[%mul3A_2] : memref<160000xf32, #tpu.memory_space<hbm>> -> memref<5000xf32, #tpu.memory_space<hbm>>
    tpu.wait_dma2 semaphore(%arg16 : memref<!tpu.dma_semaphore, #tpu.memory_space<semaphore_mem>>) src(%dma_wait3A_14 : memref<5000xf32, #tpu.memory_space<hbm>>) dst(%arg10 : memref<5000xf32, #tpu.memory_space<vmem>>)
    %broadcast_in_dim3A = arith.constant 0.000000e+00 : f32
    %broadcast_in_dim3A_15 = vector.broadcast %broadcast_in_dim3A : f32 to vector<16xf32>
    %scan3A = arith.constant 0 : i32
    %scan3A_16 = arith.constant 78 : i32
    %scan3A_17 = arith.addi %scan3A, %scan3A_16 : i32
    %scan3A_18 = arith.constant 1 : i32
    %scan3A_19 = scf.for %scan3A_70 = %scan3A to %scan3A_17 step %scan3A_18 iter_args(%scan3A_71 = %broadcast_in_dim3A_15) -> (vector<16xf32>)  : i32 {
      %mul3A_72 = arith.constant 4 : i32
      %mul3A_73 = arith.muli %scan3A_70, %mul3A_72 : i32
      %add3A_74 = arith.constant 0 : i32
      %add3A_75 = arith.addi %mul3A_73, %add3A_74 : i32
      %mul3A_76 = arith.constant 16 : i32
      %mul3A_77 = arith.muli %add3A_75, %mul3A_76 : i32
      %get3A_78 = arith.index_cast %mul3A_77 : i32 to index
      %get3A_79 = tpu.vector_load %arg8[%get3A_78] {strides = array<i32>} : memref<5000xi32, #tpu.memory_space<vmem>>, vector<16xi32>,
      %get3A_80 = arith.index_cast %mul3A_77 : i32 to index
      %get3A_81 = tpu.vector_load %arg9[%get3A_80] {strides = array<i32>} : memref<5000xi32, #tpu.memory_space<vmem>>, vector<16xi32>,
      %mul3A_82 = arith.constant 67109 : i32
      %mul3A_83 = vector.broadcast %mul3A_82 : i32 to vector<16xi32>
      %mul3A_84 = arith.muli %get3A_79, %mul3A_83 : vector<16xi32>
      %shift_right_arithmetic3A_85 = arith.constant 26 : i32
      %shift_right_arithmetic3A_86 = vector.broadcast %shift_right_arithmetic3A_85 : i32 to vector<16xi32>
      %shift_right_arithmetic3A_87 = arith.shrsi %mul3A_84, %shift_right_arithmetic3A_86 : vector<16xi32>
      %mul3A_88 = arith.constant 67109 : i32
      %mul3A_89 = vector.broadcast %mul3A_88 : i32 to vector<16xi32>
      %mul3A_90 = arith.muli %get3A_81, %mul3A_89 : vector<16xi32>
      %shift_right_arithmetic3A_91 = arith.constant 26 : i32
      %shift_right_arithmetic3A_92 = vector.broadcast %shift_right_arithmetic3A_91 : i32 to vector<16xi32>
      %shift_right_arithmetic3A_93 = arith.shrsi %mul3A_90, %shift_right_arithmetic3A_92 : vector<16xi32>
      %mul3A_94 = arith.constant 1000 : i32
      %mul3A_95 = vector.broadcast %mul3A_94 : i32 to vector<16xi32>
      %mul3A_96 = arith.muli %shift_right_arithmetic3A_87, %mul3A_95 : vector<16xi32>
      %add3A_97 = arith.addi %get3A_79, %mul3A_96 : vector<16xi32>
      %gather3A_98 = tpu.vector_load_idx %arg7[%add3A_97] : memref<20000xf32, #tpu.memory_space<vmem>>[vector<16xi32>], vector<16xf32>,
      %mul3A_99 = arith.constant 1000 : i32
      %mul3A_100 = vector.broadcast %mul3A_99 : i32 to vector<16xi32>
      %mul3A_101 = arith.muli %shift_right_arithmetic3A_93, %mul3A_100 : vector<16xi32>
      %add3A_102 = arith.addi %get3A_81, %mul3A_101 : vector<16xi32>
      %add3A_103 = arith.constant 1000 : i32
      %add3A_104 = vector.broadcast %add3A_103 : i32 to vector<16xi32>
      %add3A_105 = arith.addi %add3A_102, %add3A_104 : vector<16xi32>
      %gather3A_106 = tpu.vector_load_idx %arg7[%add3A_105] : memref<20000xf32, #tpu.memory_space<vmem>>[vector<16xi32>], vector<16xf32>,
      %add3A_107 = arith.addf %gather3A_98, %gather3A_106 : vector<16xf32>
      %get3A_108 = arith.index_cast %mul3A_77 : i32 to index
      %get3A_109 = tpu.vector_load %arg10[%get3A_108] {strides = array<i32>} : memref<5000xf32, #tpu.memory_space<vmem>>, vector<16xf32>,
      %add3A_110 = arith.addf %add3A_107, %get3A_109 : vector<16xf32>
      %mul3A_111 = arith.constant 2.000000e+00 : f32
      %mul3A_112 = vector.broadcast %mul3A_111 : f32 to vector<16xf32>
      %mul3A_113 = arith.mulf %add3A_110, %mul3A_112 : vector<16xf32>
      %neg3A_114 = arith.constant 0.000000e+00 : f32
      %neg3A_115 = vector.broadcast %neg3A_114 : f32 to vector<16xf32>
      %neg3A_116 = arith.subf %neg3A_115, %mul3A_113 : vector<16xf32>
      %exp3A_117 = math.exp %neg3A_116 : vector<16xf32>
      %add3A_118 = arith.constant 1.000000e+00 : f32
      %add3A_119 = vector.broadcast %add3A_118 : f32 to vector<16xf32>
      %add3A_120 = arith.addf %add3A_119, %exp3A_117 : vector<16xf32>
      %div3A_121 = arith.constant 1.000000e+00 : f32
      %div3A_122 = vector.broadcast %div3A_121 : f32 to vector<16xf32>
      %div3A_123 = arith.divf %div3A_122, %add3A_120 : vector<16xf32>
      %swap3A_124 = arith.index_cast %mul3A_77 : i32 to index
      %swap3A_125 = tpu.vector_load %arg11[%swap3A_124] {strides = array<i32>} : memref<5000xf32, #tpu.memory_space<vmem>>, vector<16xf32>,
      tpu.vector_store %arg11[%swap3A_124], %div3A_123 {strides = array<i32>} : memref<5000xf32, #tpu.memory_space<vmem>>, vector<16xf32>,
      %add3A_126 = arith.addf %scan3A_71, %div3A_123 : vector<16xf32>
      %mul3A_127 = arith.constant 4 : i32
      %mul3A_128 = arith.muli %scan3A_70, %mul3A_127 : i32
      %add3A_129 = arith.constant 1 : i32
      %add3A_130 = arith.addi %mul3A_128, %add3A_129 : i32
      %mul3A_131 = arith.constant 16 : i32
      %mul3A_132 = arith.muli %add3A_130, %mul3A_131 : i32
      %get3A_133 = arith.index_cast %mul3A_132 : i32 to index
      %get3A_134 = tpu.vector_load %arg8[%get3A_133] {strides = array<i32>} : memref<5000xi32, #tpu.memory_space<vmem>>, vector<16xi32>,
      %get3A_135 = arith.index_cast %mul3A_132 : i32 to index
      %get3A_136 = tpu.vector_load %arg9[%get3A_135] {strides = array<i32>} : memref<5000xi32, #tpu.memory_space<vmem>>, vector<16xi32>,
      %mul3A_137 = arith.constant 67109 : i32
      %mul3A_138 = vector.broadcast %mul3A_137 : i32 to vector<16xi32>
      %mul3A_139 = arith.muli %get3A_134, %mul3A_138 : vector<16xi32>
      %shift_right_arithmetic3A_140 = arith.constant 26 : i32
      %shift_right_arithmetic3A_141 = vector.broadcast %shift_right_arithmetic3A_140 : i32 to vector<16xi32>
      %shift_right_arithmetic3A_142 = arith.shrsi %mul3A_139, %shift_right_arithmetic3A_141 : vector<16xi32>
      %mul3A_143 = arith.constant 67109 : i32
      %mul3A_144 = vector.broadcast %mul3A_143 : i32 to vector<16xi32>
      %mul3A_145 = arith.muli %get3A_136, %mul3A_144 : vector<16xi32>
      %shift_right_arithmetic3A_146 = arith.constant 26 : i32
      %shift_right_arithmetic3A_147 = vector.broadcast %shift_right_arithmetic3A_146 : i32 to vector<16xi32>
      %shift_right_arithmetic3A_148 = arith.shrsi %mul3A_145, %shift_right_arithmetic3A_147 : vector<16xi32>
      %mul3A_149 = arith.constant 1000 : i32
      %mul3A_150 = vector.broadcast %mul3A_149 : i32 to vector<16xi32>
      %mul3A_151 = arith.muli %shift_right_arithmetic3A_142, %mul3A_150 : vector<16xi32>
      %add3A_152 = arith.addi %get3A_134, %mul3A_151 : vector<16xi32>
      %gather3A_153 = tpu.vector_load_idx %arg7[%add3A_152] : memref<20000xf32, #tpu.memory_space<vmem>>[vector<16xi32>], vector<16xf32>,
      %mul3A_154 = arith.constant 1000 : i32
      %mul3A_155 = vector.broadcast %mul3A_154 : i32 to vector<16xi32>
      %mul3A_156 = arith.muli %shift_right_arithmetic3A_148, %mul3A_155 : vector<16xi32>
      %add3A_157 = arith.addi %get3A_136, %mul3A_156 : vector<16xi32>
      %add3A_158 = arith.constant 1000 : i32
      %add3A_159 = vector.broadcast %add3A_158 : i32 to vector<16xi32>
      %add3A_160 = arith.addi %add3A_157, %add3A_159 : vector<16xi32>
      %gather3A_161 = tpu.vector_load_idx %arg7[%add3A_160] : memref<20000xf32, #tpu.memory_space<vmem>>[vector<16xi32>], vector<16xf32>,
      %add3A_162 = arith.addf %gather3A_153, %gather3A_161 : vector<16xf32>
      %get3A_163 = arith.index_cast %mul3A_132 : i32 to index
      %get3A_164 = tpu.vector_load %arg10[%get3A_163] {strides = array<i32>} : memref<5000xf32, #tpu.memory_space<vmem>>, vector<16xf32>,
      %add3A_165 = arith.addf %add3A_162, %get3A_164 : vector<16xf32>
      %mul3A_166 = arith.constant 2.000000e+00 : f32
      %mul3A_167 = vector.broadcast %mul3A_166 : f32 to vector<16xf32>
      %mul3A_168 = arith.mulf %add3A_165, %mul3A_167 : vector<16xf32>
      %neg3A_169 = arith.constant 0.000000e+00 : f32
      %neg3A_170 = vector.broadcast %neg3A_169 : f32 to vector<16xf32>
      %neg3A_171 = arith.subf %neg3A_170, %mul3A_168 : vector<16xf32>
      %exp3A_172 = math.exp %neg3A_171 : vector<16xf32>
      %add3A_173 = arith.constant 1.000000e+00 : f32
      %add3A_174 = vector.broadcast %add3A_173 : f32 to vector<16xf32>
      %add3A_175 = arith.addf %add3A_174, %exp3A_172 : vector<16xf32>
      %div3A_176 = arith.constant 1.000000e+00 : f32
      %div3A_177 = vector.broadcast %div3A_176 : f32 to vector<16xf32>
      %div3A_178 = arith.divf %div3A_177, %add3A_175 : vector<16xf32>
      %swap3A_179 = arith.index_cast %mul3A_132 : i32 to index
      %swap3A_180 = tpu.vector_load %arg11[%swap3A_179] {strides = array<i32>} : memref<5000xf32, #tpu.memory_space<vmem>>, vector<16xf32>,
      tpu.vector_store %arg11[%swap3A_179], %div3A_178 {strides = array<i32>} : memref<5000xf32, #tpu.memory_space<vmem>>, vector<16xf32>,
      %add3A_181 = arith.addf %add3A_126, %div3A_178 : vector<16xf32>
      %mul3A_182 = arith.constant 4 : i32
      %mul3A_183 = arith.muli %scan3A_70, %mul3A_182 : i32
      %add3A_184 = arith.constant 2 : i32
      %add3A_185 = arith.addi %mul3A_183, %add3A_184 : i32
      %mul3A_186 = arith.constant 16 : i32
      %mul3A_187 = arith.muli %add3A_185, %mul3A_186 : i32
      %get3A_188 = arith.index_cast %mul3A_187 : i32 to index
      %get3A_189 = tpu.vector_load %arg8[%get3A_188] {strides = array<i32>} : memref<5000xi32, #tpu.memory_space<vmem>>, vector<16xi32>,
      %get3A_190 = arith.index_cast %mul3A_187 : i32 to index
      %get3A_191 = tpu.vector_load %arg9[%get3A_190] {strides = array<i32>} : memref<5000xi32, #tpu.memory_space<vmem>>, vector<16xi32>,
      %mul3A_192 = arith.constant 67109 : i32
      %mul3A_193 = vector.broadcast %mul3A_192 : i32 to vector<16xi32>
      %mul3A_194 = arith.muli %get3A_189, %mul3A_193 : vector<16xi32>
      %shift_right_arithmetic3A_195 = arith.constant 26 : i32
      %shift_right_arithmetic3A_196 = vector.broadcast %shift_right_arithmetic3A_195 : i32 to vector<16xi32>
      %shift_right_arithmetic3A_197 = arith.shrsi %mul3A_194, %shift_right_arithmetic3A_196 : vector<16xi32>
      %mul3A_198 = arith.constant 67109 : i32
      %mul3A_199 = vector.broadcast %mul3A_198 : i32 to vector<16xi32>
      %mul3A_200 = arith.muli %get3A_191, %mul3A_199 : vector<16xi32>
      %shift_right_arithmetic3A_201 = arith.constant 26 : i32
      %shift_right_arithmetic3A_202 = vector.broadcast %shift_right_arithmetic3A_201 : i32 to vector<16xi32>
      %shift_right_arithmetic3A_203 = arith.shrsi %mul3A_200, %shift_right_arithmetic3A_202 : vector<16xi32>
      %mul3A_204 = arith.constant 1000 : i32
      %mul3A_205 = vector.broadcast %mul3A_204 : i32 to vector<16xi32>
      %mul3A_206 = arith.muli %shift_right_arithmetic3A_197, %mul3A_205 : vector<16xi32>
      %add3A_207 = arith.addi %get3A_189, %mul3A_206 : vector<16xi32>
      %gather3A_208 = tpu.vector_load_idx %arg7[%add3A_207] : memref<20000xf32, #tpu.memory_space<vmem>>[vector<16xi32>], vector<16xf32>,
      %mul3A_209 = arith.constant 1000 : i32
      %mul3A_210 = vector.broadcast %mul3A_209 : i32 to vector<16xi32>
      %mul3A_211 = arith.muli %shift_right_arithmetic3A_203, %mul3A_210 : vector<16xi32>
      %add3A_212 = arith.addi %get3A_191, %mul3A_211 : vector<16xi32>
      %add3A_213 = arith.constant 1000 : i32
      %add3A_214 = vector.broadcast %add3A_213 : i32 to vector<16xi32>
      %add3A_215 = arith.addi %add3A_212, %add3A_214 : vector<16xi32>
      %gather3A_216 = tpu.vector_load_idx %arg7[%add3A_215] : memref<20000xf32, #tpu.memory_space<vmem>>[vector<16xi32>], vector<16xf32>,
      %add3A_217 = arith.addf %gather3A_208, %gather3A_216 : vector<16xf32>
      %get3A_218 = arith.index_cast %mul3A_187 : i32 to index
      %get3A_219 = tpu.vector_load %arg10[%get3A_218] {strides = array<i32>} : memref<5000xf32, #tpu.memory_space<vmem>>, vector<16xf32>,
      %add3A_220 = arith.addf %add3A_217, %get3A_219 : vector<16xf32>
      %mul3A_221 = arith.constant 2.000000e+00 : f32
      %mul3A_222 = vector.broadcast %mul3A_221 : f32 to vector<16xf32>
      %mul3A_223 = arith.mulf %add3A_220, %mul3A_222 : vector<16xf32>
      %neg3A_224 = arith.constant 0.000000e+00 : f32
      %neg3A_225 = vector.broadcast %neg3A_224 : f32 to vector<16xf32>
      %neg3A_226 = arith.subf %neg3A_225, %mul3A_223 : vector<16xf32>
      %exp3A_227 = math.exp %neg3A_226 : vector<16xf32>
      %add3A_228 = arith.constant 1.000000e+00 : f32
      %add3A_229 = vector.broadcast %add3A_228 : f32 to vector<16xf32>
      %add3A_230 = arith.addf %add3A_229, %exp3A_227 : vector<16xf32>
      %div3A_231 = arith.constant 1.000000e+00 : f32
      %div3A_232 = vector.broadcast %div3A_231 : f32 to vector<16xf32>
      %div3A_233 = arith.divf %div3A_232, %add3A_230 : vector<16xf32>
      %swap3A_234 = arith.index_cast %mul3A_187 : i32 to index
      %swap3A_235 = tpu.vector_load %arg11[%swap3A_234] {strides = array<i32>} : memref<5000xf32, #tpu.memory_space<vmem>>, vector<16xf32>,
      tpu.vector_store %arg11[%swap3A_234], %div3A_233 {strides = array<i32>} : memref<5000xf32, #tpu.memory_space<vmem>>, vector<16xf32>,
      %add3A_236 = arith.addf %add3A_181, %div3A_233 : vector<16xf32>
      %mul3A_237 = arith.constant 4 : i32
      %mul3A_238 = arith.muli %scan3A_70, %mul3A_237 : i32
      %add3A_239 = arith.constant 3 : i32
      %add3A_240 = arith.addi %mul3A_238, %add3A_239 : i32
      %mul3A_241 = arith.constant 16 : i32
      %mul3A_242 = arith.muli %add3A_240, %mul3A_241 : i32
      %get3A_243 = arith.index_cast %mul3A_242 : i32 to index
      %get3A_244 = tpu.vector_load %arg8[%get3A_243] {strides = array<i32>} : memref<5000xi32, #tpu.memory_space<vmem>>, vector<16xi32>,
      %get3A_245 = arith.index_cast %mul3A_242 : i32 to index
      %get3A_246 = tpu.vector_load %arg9[%get3A_245] {strides = array<i32>} : memref<5000xi32, #tpu.memory_space<vmem>>, vector<16xi32>,
      %mul3A_247 = arith.constant 67109 : i32
      %mul3A_248 = vector.broadcast %mul3A_247 : i32 to vector<16xi32>
      %mul3A_249 = arith.muli %get3A_244, %mul3A_248 : vector<16xi32>
      %shift_right_arithmetic3A_250 = arith.constant 26 : i32
      %shift_right_arithmetic3A_251 = vector.broadcast %shift_right_arithmetic3A_250 : i32 to vector<16xi32>
      %shift_right_arithmetic3A_252 = arith.shrsi %mul3A_249, %shift_right_arithmetic3A_251 : vector<16xi32>
      %mul3A_253 = arith.constant 67109 : i32
      %mul3A_254 = vector.broadcast %mul3A_253 : i32 to vector<16xi32>
      %mul3A_255 = arith.muli %get3A_246, %mul3A_254 : vector<16xi32>
      %shift_right_arithmetic3A_256 = arith.constant 26 : i32
      %shift_right_arithmetic3A_257 = vector.broadcast %shift_right_arithmetic3A_256 : i32 to vector<16xi32>
      %shift_right_arithmetic3A_258 = arith.shrsi %mul3A_255, %shift_right_arithmetic3A_257 : vector<16xi32>
      %mul3A_259 = arith.constant 1000 : i32
      %mul3A_260 = vector.broadcast %mul3A_259 : i32 to vector<16xi32>
      %mul3A_261 = arith.muli %shift_right_arithmetic3A_252, %mul3A_260 : vector<16xi32>
      %add3A_262 = arith.addi %get3A_244, %mul3A_261 : vector<16xi32>
      %gather3A_263 = tpu.vector_load_idx %arg7[%add3A_262] : memref<20000xf32, #tpu.memory_space<vmem>>[vector<16xi32>], vector<16xf32>,
      %mul3A_264 = arith.constant 1000 : i32
      %mul3A_265 = vector.broadcast %mul3A_264 : i32 to vector<16xi32>
      %mul3A_266 = arith.muli %shift_right_arithmetic3A_258, %mul3A_265 : vector<16xi32>
      %add3A_267 = arith.addi %get3A_246, %mul3A_266 : vector<16xi32>
      %add3A_268 = arith.constant 1000 : i32
      %add3A_269 = vector.broadcast %add3A_268 : i32 to vector<16xi32>
      %add3A_270 = arith.addi %add3A_267, %add3A_269 : vector<16xi32>
      %gather3A_271 = tpu.vector_load_idx %arg7[%add3A_270] : memref<20000xf32, #tpu.memory_space<vmem>>[vector<16xi32>], vector<16xf32>,
      %add3A_272 = arith.addf %gather3A_263, %gather3A_271 : vector<16xf32>
      %get3A_273 = arith.index_cast %mul3A_242 : i32 to index
      %get3A_274 = tpu.vector_load %arg10[%get3A_273] {strides = array<i32>} : memref<5000xf32, #tpu.memory_space<vmem>>, vector<16xf32>,
      %add3A_275 = arith.addf %add3A_272, %get3A_274 : vector<16xf32>
      %mul3A_276 = arith.constant 2.000000e+00 : f32
      %mul3A_277 = vector.broadcast %mul3A_276 : f32 to vector<16xf32>
      %mul3A_278 = arith.mulf %add3A_275, %mul3A_277 : vector<16xf32>
      %neg3A_279 = arith.constant 0.000000e+00 : f32
      %neg3A_280 = vector.broadcast %neg3A_279 : f32 to vector<16xf32>
      %neg3A_281 = arith.subf %neg3A_280, %mul3A_278 : vector<16xf32>
      %exp3A_282 = math.exp %neg3A_281 : vector<16xf32>
      %add3A_283 = arith.constant 1.000000e+00 : f32
      %add3A_284 = vector.broadcast %add3A_283 : f32 to vector<16xf32>
      %add3A_285 = arith.addf %add3A_284, %exp3A_282 : vector<16xf32>
      %div3A_286 = arith.constant 1.000000e+00 : f32
      %div3A_287 = vector.broadcast %div3A_286 : f32 to vector<16xf32>
      %div3A_288 = arith.divf %div3A_287, %add3A_285 : vector<16xf32>
      %swap3A_289 = arith.index_cast %mul3A_242 : i32 to index
      %swap3A_290 = tpu.vector_load %arg11[%swap3A_289] {strides = array<i32>} : memref<5000xf32, #tpu.memory_space<vmem>>, vector<16xf32>,
      tpu.vector_store %arg11[%swap3A_289], %div3A_288 {strides = array<i32>} : memref<5000xf32, #tpu.memory_space<vmem>>, vector<16xf32>,
      %add3A_291 = arith.addf %add3A_236, %div3A_288 : vector<16xf32>
      scf.yield %add3A_291 : vector<16xf32>
    }
    %scan3A_20 = arith.constant 78 : i32
    %get3A = arith.constant 4984 : index
    %get3A_21 = tpu.vector_load %arg8[%get3A] {strides = array<i32>} : memref<5000xi32, #tpu.memory_space<vmem>>, vector<16xi32>,
    %get3A_22 = arith.constant 4984 : index
    %get3A_23 = tpu.vector_load %arg9[%get3A_22] {strides = array<i32>} : memref<5000xi32, #tpu.memory_space<vmem>>, vector<16xi32>,
    %mul3A_24 = arith.constant 67109 : i32
    %mul3A_25 = vector.broadcast %mul3A_24 : i32 to vector<16xi32>
    %mul3A_26 = arith.muli %get3A_21, %mul3A_25 : vector<16xi32>
    %shift_right_arithmetic3A = arith.constant 26 : i32
    %shift_right_arithmetic3A_27 = vector.broadcast %shift_right_arithmetic3A : i32 to vector<16xi32>
    %shift_right_arithmetic3A_28 = arith.shrsi %mul3A_26, %shift_right_arithmetic3A_27 : vector<16xi32>
    %mul3A_29 = arith.constant 67109 : i32
    %mul3A_30 = vector.broadcast %mul3A_29 : i32 to vector<16xi32>
    %mul3A_31 = arith.muli %get3A_23, %mul3A_30 : vector<16xi32>
    %shift_right_arithmetic3A_32 = arith.constant 26 : i32
    %shift_right_arithmetic3A_33 = vector.broadcast %shift_right_arithmetic3A_32 : i32 to vector<16xi32>
    %shift_right_arithmetic3A_34 = arith.shrsi %mul3A_31, %shift_right_arithmetic3A_33 : vector<16xi32>
    %mul3A_35 = arith.constant 1000 : i32
    %mul3A_36 = vector.broadcast %mul3A_35 : i32 to vector<16xi32>
    %mul3A_37 = arith.muli %shift_right_arithmetic3A_28, %mul3A_36 : vector<16xi32>
    %add3A_38 = arith.addi %get3A_21, %mul3A_37 : vector<16xi32>
    %gather3A = tpu.vector_load_idx %arg7[%add3A_38] : memref<20000xf32, #tpu.memory_space<vmem>>[vector<16xi32>], vector<16xf32>,
    %mul3A_39 = arith.constant 1000 : i32
    %mul3A_40 = vector.broadcast %mul3A_39 : i32 to vector<16xi32>
    %mul3A_41 = arith.muli %shift_right_arithmetic3A_34, %mul3A_40 : vector<16xi32>
    %add3A_42 = arith.addi %get3A_23, %mul3A_41 : vector<16xi32>
    %add3A_43 = arith.constant 1000 : i32
    %add3A_44 = vector.broadcast %add3A_43 : i32 to vector<16xi32>
    %add3A_45 = arith.addi %add3A_42, %add3A_44 : vector<16xi32>
    %gather3A_46 = tpu.vector_load_idx %arg7[%add3A_45] : memref<20000xf32, #tpu.memory_space<vmem>>[vector<16xi32>], vector<16xf32>,
    %add3A_47 = arith.addf %gather3A, %gather3A_46 : vector<16xf32>
    %get3A_48 = arith.constant 4984 : index
    %get3A_49 = tpu.vector_load %arg10[%get3A_48] {strides = array<i32>} : memref<5000xf32, #tpu.memory_space<vmem>>, vector<16xf32>,
    %add3A_50 = arith.addf %add3A_47, %get3A_49 : vector<16xf32>
    %mul3A_51 = arith.constant 2.000000e+00 : f32
    %mul3A_52 = vector.broadcast %mul3A_51 : f32 to vector<16xf32>
    %mul3A_53 = arith.mulf %add3A_50, %mul3A_52 : vector<16xf32>
    %neg3A = arith.constant 0.000000e+00 : f32
    %neg3A_54 = vector.broadcast %neg3A : f32 to vector<16xf32>
    %neg3A_55 = arith.subf %neg3A_54, %mul3A_53 : vector<16xf32>
    %exp3A = math.exp %neg3A_55 : vector<16xf32>
    %add3A_56 = arith.constant 1.000000e+00 : f32
    %add3A_57 = vector.broadcast %add3A_56 : f32 to vector<16xf32>
    %add3A_58 = arith.addf %add3A_57, %exp3A : vector<16xf32>
    %div3A = arith.constant 1.000000e+00 : f32
    %div3A_59 = vector.broadcast %div3A : f32 to vector<16xf32>
    %div3A_60 = arith.divf %div3A_59, %add3A_58 : vector<16xf32>
    %swap3A = arith.constant 4984 : index
    %swap3A_61 = tpu.vector_load %arg11[%swap3A] {strides = array<i32>} : memref<5000xf32, #tpu.memory_space<vmem>>, vector<16xf32>,
    tpu.vector_store %arg11[%swap3A], %div3A_60 {strides = array<i32>} : memref<5000xf32, #tpu.memory_space<vmem>>, vector<16xf32>,
    %iota3A = tpu.iota {dimensions = array<i32: 0>} : vector<16xi32>
    %ge3A = arith.constant 8 : i32
    %ge3A_62 = vector.broadcast %ge3A : i32 to vector<16xi32>
    %ge3A_63 = arith.cmpi sge, %iota3A, %ge3A_62 : vector<16xi32>
    %jit3A = arith.constant 0.000000e+00 : f32
    %broadcast_in_dim3A_64 = vector.broadcast %jit3A : f32 to vector<16xf32>
    %select_n3A = arith.select %ge3A_63, %div3A_60, %broadcast_in_dim3A_64 : vector<16xi1>, vector<16xf32>
    %add3A_65 = arith.addf %scan3A_19, %select_n3A : vector<16xf32>
    %swap3A_66 = arith.constant 0 : index
    %swap3A_67 = tpu.vector_load %arg12[%swap3A_66] {strides = array<i32>} : memref<16xf32, #tpu.memory_space<vmem>>, vector<16xf32>,
    tpu.vector_store %arg12[%swap3A_66], %add3A_65 {strides = array<i32>} : memref<16xf32, #tpu.memory_space<vmem>>, vector<16xf32>,
    "tpu.region"() ({
      %run_scoped3A = tpu.sem_alloc : memref<!tpu.dma_semaphore, #tpu.memory_space<semaphore_mem>>
      %dma_start3A_70 = tpu.memref_slice %arg5[%mul3A_2] : memref<160000xf32, #tpu.memory_space<hbm>> -> memref<5000xf32, #tpu.memory_space<hbm>>
      %dma_start3A_71 = tpu.memref_slice %arg5[%mul3A_2] : memref<160000xf32, #tpu.memory_space<hbm>> -> memref<5000xf32, #tpu.memory_space<hbm>>
      tpu.enqueue_dma source(%arg11 : memref<5000xf32, #tpu.memory_space<vmem>>) target(%dma_start3A_71 : memref<5000xf32, #tpu.memory_space<hbm>>) target_semaphore(%run_scoped3A : memref<!tpu.dma_semaphore, #tpu.memory_space<semaphore_mem>>)
      %dma_wait3A_72 = tpu.memref_slice %arg5[%mul3A_2] : memref<160000xf32, #tpu.memory_space<hbm>> -> memref<5000xf32, #tpu.memory_space<hbm>>
      %dma_wait3A_73 = tpu.memref_slice %arg5[%mul3A_2] : memref<160000xf32, #tpu.memory_space<hbm>> -> memref<5000xf32, #tpu.memory_space<hbm>>
      tpu.wait_dma2 semaphore(%run_scoped3A : memref<!tpu.dma_semaphore, #tpu.memory_space<semaphore_mem>>) src(%arg11 : memref<5000xf32, #tpu.memory_space<vmem>>) dst(%dma_wait3A_73 : memref<5000xf32, #tpu.memory_space<hbm>>)
      tpu.yield
    }) : () -> ()
    %mul3A_68 = arith.constant 16 : i32
    %mul3A_69 = arith.muli %add3A, %mul3A_68 : i32
    "tpu.region"() ({
      %run_scoped3A = tpu.sem_alloc : memref<!tpu.dma_semaphore, #tpu.memory_space<semaphore_mem>>
      %dma_start3A_70 = tpu.memref_slice %arg6[%mul3A_69] : memref<512xf32, #tpu.memory_space<hbm>> -> memref<16xf32, #tpu.memory_space<hbm>>
      %dma_start3A_71 = tpu.memref_slice %arg6[%mul3A_69] : memref<512xf32, #tpu.memory_space<hbm>> -> memref<16xf32, #tpu.memory_space<hbm>>
      tpu.enqueue_dma source(%arg12 : memref<16xf32, #tpu.memory_space<vmem>>) target(%dma_start3A_71 : memref<16xf32, #tpu.memory_space<hbm>>) target_semaphore(%run_scoped3A : memref<!tpu.dma_semaphore, #tpu.memory_space<semaphore_mem>>)
      %dma_wait3A_72 = tpu.memref_slice %arg6[%mul3A_69] : memref<512xf32, #tpu.memory_space<hbm>> -> memref<16xf32, #tpu.memory_space<hbm>>
      %dma_wait3A_73 = tpu.memref_slice %arg6[%mul3A_69] : memref<512xf32, #tpu.memory_space<hbm>> -> memref<16xf32, #tpu.memory_space<hbm>>
      tpu.wait_dma2 semaphore(%run_scoped3A : memref<!tpu.dma_semaphore, #tpu.memory_space<semaphore_mem>>) src(%arg12 : memref<16xf32, #tpu.memory_space<vmem>>) dst(%dma_wait3A_73 : memref<16xf32, #tpu.memory_space<hbm>>)
      tpu.yield
    }) : () -> ()
    return
  }
}

module attributes {stable_mosaic.version = 14 : i64} {
  func.func @_tc_body(%arg0: i32, %arg1: memref<1000x256xf32, #tpu.memory_space<vmem>>, %arg2: memref<16x16000xf32, #tpu.memory_space<vmem>>, %arg3: memref<1x1x16000xf32, #tpu.memory_space<vmem>>, %arg4: memref<256x64xf32, #tpu.memory_space<vmem>>, %arg5: memref<64xf32, #tpu.memory_space<vmem>>, %arg6: memref<64x1xf32, #tpu.memory_space<vmem>>, %arg7: memref<1xf32, #tpu.memory_space<vmem>>, %arg8: memref<256x64xf32, #tpu.memory_space<vmem>>, %arg9: memref<64xf32, #tpu.memory_space<vmem>>, %arg10: memref<64x1xf32, #tpu.memory_space<vmem>>, %arg11: memref<1xf32, #tpu.memory_space<vmem>>, %arg12: memref<16x64xf32, #tpu.memory_space<vmem>>, %arg13: memref<64x1xf32, #tpu.memory_space<vmem>>, %arg14: memref<64x1xf32, #tpu.memory_space<vmem>>, %arg15: memref<1xf32, #tpu.memory_space<vmem>>, %arg16: memref<1x2x1000xf32, #tpu.memory_space<vmem>>, %arg17: memref<1x1x16000xf32, #tpu.memory_space<vmem>>) attributes {dimension_semantics = [#tpu.dimension_semantics<arbitrary>], iteration_bounds = array<i64: 10>, scalar_prefetch = 0 : i64, scratch_operands = 0 : i64, tpu.core_type = #tpu.core_type<tc>, window_params = [{transform_indices = @transform_0, window_bounds = array<i64: 1000, 256>}, {transform_indices = @transform_1, window_bounds = array<i64: 16, 16000>}, {transform_indices = @transform_2, window_bounds = array<i64: 1, 1, 16000>}, {pipeline_mode = #tpu.pipeline_mode<synchronous>, transform_indices = @transform_3, window_bounds = array<i64: 256, 64>}, {pipeline_mode = #tpu.pipeline_mode<synchronous>, transform_indices = @transform_4, window_bounds = array<i64: 64>}, {pipeline_mode = #tpu.pipeline_mode<synchronous>, transform_indices = @transform_5, window_bounds = array<i64: 64, 1>}, {pipeline_mode = #tpu.pipeline_mode<synchronous>, transform_indices = @transform_6, window_bounds = array<i64: 1>}, {pipeline_mode = #tpu.pipeline_mode<synchronous>, transform_indices = @transform_7, window_bounds = array<i64: 256, 64>}, {pipeline_mode = #tpu.pipeline_mode<synchronous>, transform_indices = @transform_8, window_bounds = array<i64: 64>}, {pipeline_mode = #tpu.pipeline_mode<synchronous>, transform_indices = @transform_9, window_bounds = array<i64: 64, 1>}, {pipeline_mode = #tpu.pipeline_mode<synchronous>, transform_indices = @transform_10, window_bounds = array<i64: 1>}, {pipeline_mode = #tpu.pipeline_mode<synchronous>, transform_indices = @transform_11, window_bounds = array<i64: 16, 64>}, {pipeline_mode = #tpu.pipeline_mode<synchronous>, transform_indices = @transform_12, window_bounds = array<i64: 64, 1>}, {pipeline_mode = #tpu.pipeline_mode<synchronous>, transform_indices = @transform_13, window_bounds = array<i64: 64, 1>}, {pipeline_mode = #tpu.pipeline_mode<synchronous>, transform_indices = @transform_14, window_bounds = array<i64: 1>}, {transform_indices = @transform_15, window_bounds = array<i64: 1, 2, 1000>}, {transform_indices = @transform_16, window_bounds = array<i64: 1, 1, 16000>}]} {
    %get3A = arith.constant 0 : index
    %get3A_0 = arith.constant 0 : index
    %get3A_1 = vector.load %arg1[%get3A, %get3A_0] : memref<1000x256xf32, #tpu.memory_space<vmem>>, vector<1000x256xf32>
    %get3A_2 = arith.constant 0 : index
    %get3A_3 = arith.constant 0 : index
    %get3A_4 = vector.load %arg4[%get3A_2, %get3A_3] : memref<256x64xf32, #tpu.memory_space<vmem>>, vector<256x64xf32>
    %dot_general3A = arith.constant dense<0.000000e+00> : vector<1000x64xf32>
    %dot_general3A_5 = tpu.matmul %get3A_1, %get3A_4, %dot_general3A {dimension_numbers = #tpu.dot_dimension_numbers<[1], [0], [0], [1], [0, 0, 1, 1], [], []>, transpose_lhs_hint = false} : vector<1000x256xf32>, vector<256x64xf32>, vector<1000x64xf32> -> vector<1000x64xf32>
    %get3A_6 = arith.constant 0 : index
    %get3A_7 = vector.load %arg5[%get3A_6] : memref<64xf32, #tpu.memory_space<vmem>>, vector<64xf32>
    %broadcast_in_dim3A = vector.shape_cast %get3A_7 : vector<64xf32> to vector<1x64xf32>
    %add3A = vector.broadcast %broadcast_in_dim3A : vector<1x64xf32> to vector<1000x64xf32>
    %add3A_8 = arith.addf %dot_general3A_5, %add3A : vector<1000x64xf32>
    %max3A = arith.constant 0.000000e+00 : f32
    %max3A_9 = vector.broadcast %max3A : f32 to vector<1000x64xf32>
    %max3A_10 = arith.maximumf %add3A_8, %max3A_9 : vector<1000x64xf32>
    %get3A_11 = arith.constant 0 : index
    %get3A_12 = arith.constant 0 : index
    %get3A_13 = vector.load %arg6[%get3A_11, %get3A_12] : memref<64x1xf32, #tpu.memory_space<vmem>>, vector<64x1xf32>
    %dot_general3A_14 = arith.constant dense<0.000000e+00> : vector<1x1000xf32>
    %dot_general3A_15 = tpu.matmul %get3A_13, %max3A_10, %dot_general3A_14 {dimension_numbers = #tpu.dot_dimension_numbers<[0], [1], [1], [0], [0, 1, 1, 0], [], []>, transpose_lhs_hint = false} : vector<64x1xf32>, vector<1000x64xf32>, vector<1x1000xf32> -> vector<1x1000xf32>
    %get3A_16 = arith.constant 0 : index
    %get3A_17 = arith.constant 0 : index
    %get3A_18 = vector.load %arg8[%get3A_16, %get3A_17] : memref<256x64xf32, #tpu.memory_space<vmem>>, vector<256x64xf32>
    %dot_general3A_19 = arith.constant dense<0.000000e+00> : vector<1000x64xf32>
    %dot_general3A_20 = tpu.matmul %get3A_1, %get3A_18, %dot_general3A_19 {dimension_numbers = #tpu.dot_dimension_numbers<[1], [0], [0], [1], [0, 0, 1, 1], [], []>, transpose_lhs_hint = false} : vector<1000x256xf32>, vector<256x64xf32>, vector<1000x64xf32> -> vector<1000x64xf32>
    %get3A_21 = arith.constant 0 : index
    %get3A_22 = vector.load %arg9[%get3A_21] : memref<64xf32, #tpu.memory_space<vmem>>, vector<64xf32>
    %broadcast_in_dim3A_23 = vector.shape_cast %get3A_22 : vector<64xf32> to vector<1x64xf32>
    %add3A_24 = vector.broadcast %broadcast_in_dim3A_23 : vector<1x64xf32> to vector<1000x64xf32>
    %add3A_25 = arith.addf %dot_general3A_20, %add3A_24 : vector<1000x64xf32>
    %max3A_26 = arith.constant 0.000000e+00 : f32
    %max3A_27 = vector.broadcast %max3A_26 : f32 to vector<1000x64xf32>
    %max3A_28 = arith.maximumf %add3A_25, %max3A_27 : vector<1000x64xf32>
    %get3A_29 = arith.constant 0 : index
    %get3A_30 = arith.constant 0 : index
    %get3A_31 = vector.load %arg10[%get3A_29, %get3A_30] : memref<64x1xf32, #tpu.memory_space<vmem>>, vector<64x1xf32>
    %dot_general3A_32 = arith.constant dense<0.000000e+00> : vector<1x1000xf32>
    %dot_general3A_33 = tpu.matmul %get3A_31, %max3A_28, %dot_general3A_32 {dimension_numbers = #tpu.dot_dimension_numbers<[0], [1], [1], [0], [0, 1, 1, 0], [], []>, transpose_lhs_hint = false} : vector<64x1xf32>, vector<1000x64xf32>, vector<1x1000xf32> -> vector<1x1000xf32>
    %get3A_34 = arith.constant 0 : index
    %get3A_35 = vector.load %arg7[%get3A_34] : memref<1xf32, #tpu.memory_space<vmem>>, vector<1xf32>
    %broadcast_in_dim3A_36 = vector.shape_cast %get3A_35 : vector<1xf32> to vector<1x1xf32>
    %add3A_37 = vector.broadcast %broadcast_in_dim3A_36 : vector<1x1xf32> to vector<1x1000xf32>
    %add3A_38 = arith.addf %dot_general3A_15, %add3A_37 : vector<1x1000xf32>
    %get3A_39 = arith.constant 0 : index
    %get3A_40 = vector.load %arg11[%get3A_39] : memref<1xf32, #tpu.memory_space<vmem>>, vector<1xf32>
    %broadcast_in_dim3A_41 = vector.shape_cast %get3A_40 : vector<1xf32> to vector<1x1xf32>
    %add3A_42 = vector.broadcast %broadcast_in_dim3A_41 : vector<1x1xf32> to vector<1x1000xf32>
    %add3A_43 = arith.addf %dot_general3A_33, %add3A_42 : vector<1x1000xf32>
    %concatenate3A = tpu.concatenate %add3A_38, %add3A_43 in 0 : vector<1x1000xf32>, vector<1x1000xf32> -> vector<2x1000xf32>
    %reshape3A = vector.shape_cast %concatenate3A : vector<2x1000xf32> to vector<1x2x1000xf32>
    %swap3A = arith.constant 0 : index
    %swap3A_44 = arith.constant 0 : index
    %swap3A_45 = arith.constant 0 : index
    %swap3A_46 = vector.load %arg16[%swap3A, %swap3A_44, %swap3A_45] : memref<1x2x1000xf32, #tpu.memory_space<vmem>>, vector<1x2x1000xf32>
    tpu.vector_store %arg16[%swap3A, %swap3A_44, %swap3A_45], %reshape3A {strides = array<i32>} : memref<1x2x1000xf32, #tpu.memory_space<vmem>>, vector<1x2x1000xf32>,
    %get3A_47 = arith.constant 0 : index
    %get3A_48 = arith.constant 0 : index
    %get3A_49 = vector.load %arg12[%get3A_47, %get3A_48] : memref<16x64xf32, #tpu.memory_space<vmem>>, vector<16x64xf32>
    %get3A_50 = arith.constant 0 : index
    %get3A_51 = arith.constant 0 : index
    %get3A_52 = vector.load %arg2[%get3A_50, %get3A_51] : memref<16x16000xf32, #tpu.memory_space<vmem>>, vector<16x16000xf32>
    %dot_general3A_53 = arith.constant dense<0.000000e+00> : vector<64x16000xf32>
    %dot_general3A_54 = tpu.matmul %get3A_49, %get3A_52, %dot_general3A_53 {dimension_numbers = #tpu.dot_dimension_numbers<[0], [0], [1], [1], [0, 1, 1, 1], [], []>, transpose_lhs_hint = false} : vector<16x64xf32>, vector<16x16000xf32>, vector<64x16000xf32> -> vector<64x16000xf32>
    %get3A_55 = arith.constant 0 : index
    %get3A_56 = arith.constant 0 : index
    %get3A_57 = vector.load %arg13[%get3A_55, %get3A_56] : memref<64x1xf32, #tpu.memory_space<vmem>>, vector<64x1xf32>
    %add3A_58 = vector.broadcast %get3A_57 : vector<64x1xf32> to vector<64x16000xf32>
    %add3A_59 = arith.addf %dot_general3A_54, %add3A_58 : vector<64x16000xf32>
    %max3A_60 = arith.constant 0.000000e+00 : f32
    %max3A_61 = vector.broadcast %max3A_60 : f32 to vector<64x16000xf32>
    %max3A_62 = arith.maximumf %add3A_59, %max3A_61 : vector<64x16000xf32>
    %get3A_63 = arith.constant 0 : index
    %get3A_64 = arith.constant 0 : index
    %get3A_65 = vector.load %arg14[%get3A_63, %get3A_64] : memref<64x1xf32, #tpu.memory_space<vmem>>, vector<64x1xf32>
    %dot_general3A_66 = arith.constant dense<0.000000e+00> : vector<1x16000xf32>
    %dot_general3A_67 = tpu.matmul %get3A_65, %max3A_62, %dot_general3A_66 {dimension_numbers = #tpu.dot_dimension_numbers<[0], [0], [1], [1], [0, 1, 1, 1], [], []>, transpose_lhs_hint = false} : vector<64x1xf32>, vector<64x16000xf32>, vector<1x16000xf32> -> vector<1x16000xf32>
    %get3A_68 = arith.constant 0 : index
    %get3A_69 = arith.constant 0 : index
    %get3A_70 = arith.constant 0 : index
    %get3A_71 = vector.load %arg3[%get3A_68, %get3A_69, %get3A_70] : memref<1x1x16000xf32, #tpu.memory_space<vmem>>, vector<1x1x16000xf32>
    %get3A_72 = vector.shape_cast %get3A_71 : vector<1x1x16000xf32> to vector<1x16000xf32>
    %log3A = math.log %get3A_72 : vector<1x16000xf32>
    %sub3A = arith.constant 1.000000e+00 : f32
    %sub3A_73 = vector.broadcast %sub3A : f32 to vector<1x16000xf32>
    %sub3A_74 = arith.subf %sub3A_73, %get3A_72 : vector<1x16000xf32>
    %log3A_75 = math.log %sub3A_74 : vector<1x16000xf32>
    %sub3A_76 = arith.subf %log3A, %log3A_75 : vector<1x16000xf32>
    %get3A_77 = arith.constant 0 : index
    %get3A_78 = vector.load %arg15[%get3A_77] : memref<1xf32, #tpu.memory_space<vmem>>, vector<1xf32>
    %broadcast_in_dim3A_79 = vector.shape_cast %get3A_78 : vector<1xf32> to vector<1x1xf32>
    %add3A_80 = vector.broadcast %broadcast_in_dim3A_79 : vector<1x1xf32> to vector<1x16000xf32>
    %add3A_81 = arith.addf %dot_general3A_67, %add3A_80 : vector<1x16000xf32>
    %add3A_82 = arith.addf %add3A_81, %sub3A_76 : vector<1x16000xf32>
    %reshape3A_83 = vector.shape_cast %add3A_82 : vector<1x16000xf32> to vector<1x1x16000xf32>
    %swap3A_84 = arith.constant 0 : index
    %swap3A_85 = arith.constant 0 : index
    %swap3A_86 = arith.constant 0 : index
    %swap3A_87 = vector.load %arg17[%swap3A_84, %swap3A_85, %swap3A_86] : memref<1x1x16000xf32, #tpu.memory_space<vmem>>, vector<1x1x16000xf32>
    tpu.vector_store %arg17[%swap3A_84, %swap3A_85, %swap3A_86], %reshape3A_83 {strides = array<i32>} : memref<1x1x16000xf32, #tpu.memory_space<vmem>>, vector<1x1x16000xf32>,
    return
  }
  func.func @transform_0(%arg0: i32) -> (i32, i32) {
    %c0_i32 = arith.constant 0 : i32
    %c0_i32_0 = arith.constant 0 : i32
    return %arg0, %c0_i32 : i32, i32
  }
  func.func @transform_1(%arg0: i32) -> (i32, i32) {
    %c0_i32 = arith.constant 0 : i32
    %c0_i32_0 = arith.constant 0 : i32
    return %c0_i32, %arg0 : i32, i32
  }
  func.func @transform_2(%arg0: i32) -> (i32, i32, i32) {
    %c0_i32 = arith.constant 0 : i32
    %c0_i32_0 = arith.constant 0 : i32
    %c0_i32_1 = arith.constant 0 : i32
    return %arg0, %c0_i32, %c0_i32_0 : i32, i32, i32
  }
  func.func @transform_3(%arg0: i32) -> (i32, i32) {
    %c0_i32 = arith.constant 0 : i32
    %c0_i32_0 = arith.constant 0 : i32
    %c0_i32_1 = arith.constant 0 : i32
    return %c0_i32, %c0_i32_0 : i32, i32
  }
  func.func @transform_4(%arg0: i32) -> i32 {
    %c0_i32 = arith.constant 0 : i32
    %c0_i32_0 = arith.constant 0 : i32
    return %c0_i32 : i32
  }
  func.func @transform_5(%arg0: i32) -> (i32, i32) {
    %c0_i32 = arith.constant 0 : i32
    %c0_i32_0 = arith.constant 0 : i32
    %c0_i32_1 = arith.constant 0 : i32
    return %c0_i32, %c0_i32_0 : i32, i32
  }
  func.func @transform_6(%arg0: i32) -> i32 {
    %c0_i32 = arith.constant 0 : i32
    %c0_i32_0 = arith.constant 0 : i32
    return %c0_i32 : i32
  }
  func.func @transform_7(%arg0: i32) -> (i32, i32) {
    %c0_i32 = arith.constant 0 : i32
    %c0_i32_0 = arith.constant 0 : i32
    %c0_i32_1 = arith.constant 0 : i32
    return %c0_i32, %c0_i32_0 : i32, i32
  }
  func.func @transform_8(%arg0: i32) -> i32 {
    %c0_i32 = arith.constant 0 : i32
    %c0_i32_0 = arith.constant 0 : i32
    return %c0_i32 : i32
  }
  func.func @transform_9(%arg0: i32) -> (i32, i32) {
    %c0_i32 = arith.constant 0 : i32
    %c0_i32_0 = arith.constant 0 : i32
    %c0_i32_1 = arith.constant 0 : i32
    return %c0_i32, %c0_i32_0 : i32, i32
  }
  func.func @transform_10(%arg0: i32) -> i32 {
    %c0_i32 = arith.constant 0 : i32
    %c0_i32_0 = arith.constant 0 : i32
    return %c0_i32 : i32
  }
  func.func @transform_11(%arg0: i32) -> (i32, i32) {
    %c0_i32 = arith.constant 0 : i32
    %c0_i32_0 = arith.constant 0 : i32
    %c0_i32_1 = arith.constant 0 : i32
    return %c0_i32, %c0_i32_0 : i32, i32
  }
  func.func @transform_12(%arg0: i32) -> (i32, i32) {
    %c0_i32 = arith.constant 0 : i32
    %c0_i32_0 = arith.constant 0 : i32
    %c0_i32_1 = arith.constant 0 : i32
    return %c0_i32, %c0_i32_0 : i32, i32
  }
  func.func @transform_13(%arg0: i32) -> (i32, i32) {
    %c0_i32 = arith.constant 0 : i32
    %c0_i32_0 = arith.constant 0 : i32
    %c0_i32_1 = arith.constant 0 : i32
    return %c0_i32, %c0_i32_0 : i32, i32
  }
  func.func @transform_14(%arg0: i32) -> i32 {
    %c0_i32 = arith.constant 0 : i32
    %c0_i32_0 = arith.constant 0 : i32
    return %c0_i32 : i32
  }
  func.func @transform_15(%arg0: i32) -> (i32, i32, i32) {
    %c0_i32 = arith.constant 0 : i32
    %c0_i32_0 = arith.constant 0 : i32
    %c0_i32_1 = arith.constant 0 : i32
    return %arg0, %c0_i32, %c0_i32_0 : i32, i32, i32
  }
  func.func @transform_16(%arg0: i32) -> (i32, i32, i32) {
    %c0_i32 = arith.constant 0 : i32
    %c0_i32_0 = arith.constant 0 : i32
    %c0_i32_1 = arith.constant 0 : i32
    return %arg0, %c0_i32, %c0_i32_0 : i32, i32, i32
  }
}

</mosaic_0001>

<sc_bundles>
// kernel: kernel.4.cloned.1.call-start
scs
__scs_entry_jumppad:
0x0: {  	(pc) =	sbr.rel $0x88, $3  }
0x1: {  	(tag) =	ssettag $0x0;
	lr =	simm.s32 $0x1  }
0x2: {  	[smem:$0x3F92] =	sst lr;
	_ =	strace $0xD0000000  }
0x3: {  	_ = 	snop  }
0x4: {  	_ = 	snop  }
0x5: {  	_ = 	snop  }
0x6: {  	_ = 	snop  }
0x7: {  	_ = 	snop  }
__scs_overlays_trampoline_lowered:
0x8: {  	[smem:$0x3FA1] =	sst s0  }
0x9: {  	[smem:$0x3FA2] =	sst s1  }
0xa: {  	[smem:$0x3FA3] =	sst s2  }
0xb: {  	[smem:$0x3FA4] =	sst s3  }
0xc: {  	[smem:$0x3FA5] =	sst s4  }
0xd: {  	[smem:$0x3FA6] =	sst s5  }
0xe: {  	[smem:$0x3FA7] =	sst s6  }
0xf: {  	[smem:$0x3FA8] =	sst s7  }
0x10: {  	[smem:$0x3FA9] =	sst s8  }
0x11: {  	[smem:$0x3FAA] =	sst s9;
	s0 =	simm.s32 @!p0 $0x0  }
0x12: {  	s1 =	sld [smem:$0x3F90];
	s0 =	simm.s32 @p0 $0x1  }
0x13: {  	[smem:$0x3FAB] =	sst s0;
	s0 =	simm.s32 @!p1 $0x0  }
0x14: {  	s2 =	sld [smem:$0x3F8F];
	s0 =	simm.s32 @p1 $0x1  }
0x15: {  	[smem:$0x3FAC] =	sst s0;
	s0 =	simm.s32 @!p2 $0x0  }
0x16: {  	s3 =	sld [smem:$0x3FDB];
	s0 =	simm.s32 @p2 $0x1  }
0x17: {  	s4 =	simm.s32 $0x1BF5;
	[smem:$0x3FAE] =	sst s0  }
0x18: {  	s0 =	sld [smem:$0x3F91];
	_ =	swait.ge [sflag:s4], $0x0  }
0x19: {  	s7 =	sld [smem:$0x3F92]  }
0x1a: {  	s8 =	sadd.s32 $0xFFFFE003, lr  }
0x1b: {  	s9 =	sadd.s32 $0xFFFFFEF7, lr;
	s5 =	simm.s32 $0xFFFFFFFF;
	p2 =	slt.u32 s8, $0xFFFFF086  }
0x1c: {  	p1 =	slt.u32 s9, $0xF7A;
	s5 =	simm.s32 @!p2 $0x0  }
0x1d: {  	s5 =	simm.s32 @p1 $0x1;
	p0 =	seq.s32 s7, s2  }
0x1e: {  	s7 =	smul.u32 @!p0 $0xF7A, s2;
	p2 =	seq.s32 @!p0 s5, $0x0  }
0x1f: {  	s9 =	smul.u32 $0xF7A, s1;
	s8 =	simm.s32 @!p0 $0x1BF5;
	p2 =	por !p2, p0  }
0x20: {  	[sflag:s8] =	ssyncset.s32 @!p0 $0xFFFFF086;
	s6 =	sadd.s32 @!p0 s3, s7;
	s7 =	simm.s32 @!p0 $0x108  }
0x21: {  	s3 =	sadd.s32 s3, s9;
	s6 =	sadd.s32 @!p0 $0x88, s6;
	s7 =	simm.s32 @p2 $0x1082  }
0x22: {  	[simem:s7], [sflag:s8] =	dma.local @!p0 [hbm:s6], $0xF7A  }
0x23: {  	s9 =	sor.u32 $0xD0000000, s2;
	s6 =	simm.s32 $0x108;
	_ =	swait.ge @!p0 [sflag:s8], $0x0  }
0x24: {  	s3 =	sadd.s32 $0x88, s3;
	s6 =	simm.s32 @!p1 $0x1082;
	[sflag:s4] =	ssyncset.s32 $0xFFFFF086  }
0x25: {  	[simem:s6], [sflag:s4] =	dma.local [hbm:s3], $0xF7A  }
0x26: {  	[smem:$0x3F92] =	sst s1;
	(tag) =	ssettag s2;
	_ =	strace s9  }
0x27: {  	s1 =	sld [smem:$0x3FA2]  }
0x28: {  	s2 =	sld [smem:$0x3FA3]  }
0x29: {  	s4 =	sld [smem:$0x3FA5]  }
0x2a: {  	p0 =	seq.s32 s5, $0x0;
	s5 =	sld [smem:$0x3FA6]  }
0x2b: {  	s6 =	sld [smem:$0x3FA7]  }
0x2c: {  	s7 =	sld [smem:$0x3FA8]  }
0x2d: {  	s3 =	simm.s32 $0x108;
	s8 =	sld [smem:$0x3FA9]  }
0x2e: {  	s3 =	simm.s32 @!p0 $0x1082;
	s9 =	sld [smem:$0x3FAA]  }
0x2f: {  	lr =	sadd.s32 s0, s3;
	s0 =	sld [smem:$0x3FA1]  }
0x30: {  	s3 =	sld [smem:$0x3FA4]  }
0x31: {  	[smem:$0x3FAD] =	sst s10  }
0x32: {  	s10 =	sld [smem:$0x3FAB];
	_ =	sdelay $0x3  }
0x33: {  	p0 =	seq.s32 s10, $0x1;
	s10 =	sld [smem:$0x3FAD];
	_ =	sdelay $0x3  }
0x34: {  	[smem:$0x3FAD] =	sst s10  }
0x35: {  	s10 =	sld [smem:$0x3FAC];
	_ =	sdelay $0x3  }
0x36: {  	p1 =	seq.s32 s10, $0x1;
	s10 =	sld [smem:$0x3FAD];
	_ =	sdelay $0x3  }
0x37: {  	[smem:$0x3FAD] =	sst s10  }
0x38: {  	s10 =	sld [smem:$0x3FAE]  }
0x39: {  	_ = 	snop;
	(pc) =	sbr.ind lr, $3  }
0x3a: {  	_ = 	snop  }
0x3b: {  	_ = 	snop  }
0x3c: {  	p2 =	seq.s32 s10, $0x1;
	s10 =	sld [smem:$0x3FAD]  }
0x3d: {  	_ =	shalt  }
0x3e: {  	_ =	shalt  }
0x3f: {  	_ =	shalt  }
0x40: {  	_ =	shalt  }
0x41: {  	_ =	shalt  }
0x42: {  	_ =	shalt  }
0x43: {  	_ =	shalt  }
0x44: {  	_ =	shalt  }
0x45: {  	_ =	shalt  }
0x46: {  	_ =	shalt  }
0x47: {  	_ =	shalt  }
0x48: {  	_ =	shalt  }
0x49: {  	_ =	shalt  }
0x4a: {  	_ =	shalt  }
0x4b: {  	_ =	shalt  }
0x4c: {  	_ =	shalt  }
0x4d: {  	_ =	shalt  }
0x4e: {  	_ =	shalt  }
0x4f: {  	_ =	shalt  }
0x50: {  	_ =	shalt  }
0x51: {  	_ =	shalt  }
0x52: {  	_ =	shalt  }
0x53: {  	_ =	shalt  }
0x54: {  	_ =	shalt  }
0x55: {  	_ =	shalt  }
0x56: {  	_ =	shalt  }
0x57: {  	_ =	shalt  }
0x58: {  	_ =	shalt  }
0x59: {  	_ =	shalt  }
0x5a: {  	_ =	shalt  }
0x5b: {  	_ =	shalt  }
0x5c: {  	_ =	shalt  }
0x5d: {  	_ =	shalt  }
0x5e: {  	_ =	shalt  }
0x5f: {  	_ =	shalt  }
0x60: {  	_ =	shalt  }
0x61: {  	_ =	shalt  }
0x62: {  	_ =	shalt  }
0x63: {  	_ =	shalt  }
0x64: {  	_ =	shalt  }
0x65: {  	_ =	shalt  }
0x66: {  	_ =	shalt  }
0x67: {  	_ =	shalt  }
0x68: {  	_ =	shalt  }
0x69: {  	_ =	shalt  }
0x6a: {  	_ =	shalt  }
0x6b: {  	_ =	shalt  }
0x6c: {  	_ =	shalt  }
0x6d: {  	_ =	shalt  }
0x6e: {  	_ =	shalt  }
0x6f: {  	_ =	shalt  }
0x70: {  	_ =	shalt  }
0x71: {  	_ =	shalt  }
0x72: {  	_ =	shalt  }
0x73: {  	_ =	shalt  }
0x74: {  	_ =	shalt  }
0x75: {  	_ =	shalt  }
0x76: {  	_ =	shalt  }
0x77: {  	_ =	shalt  }
0x78: {  	_ =	shalt  }
0x79: {  	_ =	shalt  }
0x7a: {  	_ =	shalt  }
0x7b: {  	_ =	shalt  }
0x7c: {  	_ =	shalt  }
0x7d: {  	_ =	shalt  }
0x7e: {  	_ =	shalt  }
0x7f: {  	_ =	shalt  }
0x80: {  	_ =	shalt  }
0x81: {  	_ =	shalt  }
0x82: {  	_ =	shalt  }
0x83: {  	_ =	shalt  }
0x84: {  	_ =	shalt  }
0x85: {  	_ =	shalt  }
0x86: {  	_ =	shalt  }
0x87: {  	_ =	shalt  }
.Lfunc_end0:
.L_simem_size_0:
called_computation_lowered:
.L_overlay_start_0:
0x88: {  	s2 =	sld [smem:$0x3FD9]  }
0x89: {  	s3 =	sld [smem:$0x3FFE];
	_ =	sdelay $0x1  }
0x8a: {  	s1 =	srdreg.scid  }
0x8b: {  	s0 =	sand.u32 $0x1, s1  }
0x8c: {  	s14 =	sshll.u32 s0, $0xA;
	s2 =	sadd.s32 s3, s2  }
0x8d: {  	s2 =	sadd.s32 s2, s14  }
0x8e: {  	[smem:$0x3FB9] =	sst s2  }
0x8f: {  	_ = 	snop  }
0x90: {  	s2 =	sld [smem:$0x3FD0];
	_ =	sdelay $0x2  }
0x91: {  	s15 =	simm.s32 $0xA;
	s4 =	simm.s32 $0x10  }
0x92: {  	[smem:s4], [sflag:s15] =	dma.local [hbm:s2], $0x1  }
0x93: {  	_ =	swait.eq [sflag:s15], $0x1  }
0x94: {  	[sflag:s15] =	ssyncset.done $0x0  }
0x95: {  	[sflag:s15] =	ssyncadd.s32 $0xFFFFFFFF  }
0x96: {  	s16 =	sld [smem:$0x11];
	(tm) =	ssettm $0x1  }
0x97: {  	s17 =	sld [smem:$0x3FFB];
	_ =	sdelay $0x3  }
0x98: {  	_ =	strace s17  }
0x99: {  	s3 =	sld [smem:$0x3FFC];
	_ =	sdelay $0x3  }
0x9a: {  	_ =	strace s3  }
0x9b: {  	s3 =	sld [smem:$0x3FFD];
	_ =	sdelay $0x3  }
0x9c: {  	_ =	strace s3  }
0x9d: {  	_ =	strace $0x8FFFFFFF  }
0x9e: {  	s18 =	sld [smem:$0x3FDB];
	_ =	sdelay $0x1  }
0x9f: {  	s19 =	simm.s32 $_scs_section_size  }
0xa0: {  	s5 =	simm.s32 $_size__tile_overlayer_lowered;
	s6 =	simm.s32 $_tile_overlayer_lowered  }
0xa1: {  	s22 =	simm.s32 $0x1BFF;
	s21 =	sshll.u32 s6, $0x1;
	s3 =	sadd.s32 s19, s18  }
0xa2: {  	s7 =	simm.s32 $0x0;
	s20 =	sshll.u32 s5, $0x1;
	s5 =	sadd.s32 s21, s3  }
0xa3: {  	[timem:s7], [sflag:s22] =	dma.local [hbm:s5], s20  }
0xa4: {  	_ =	swait.ge [sflag:s22], s20  }
0xa5: {  	s4 =	ssub.s32 $0x0, s20;
	[sflag:s22] =	ssyncset.done $0x0  }
0xa6: {  	[sflag:s22] =	ssyncadd.s32 s4;
	_ =	sdelay $0x1  }
0xa7: {  	s23 =	simm.s32 $0x1B8B  }
0xa8: {  	_ =	swait.ge [sflag:s23], $0x1  }
0xa9: {  	[sflag:s23] =	ssyncset.done $0x0  }
0xaa: {  	s25 =	simm.s32 $0x1B8E;
	s24 =	sld [smem:$0x3FFE];
	[sflag:s23] =	ssyncadd.s32 $0xFFFFFFFF  }
0xab: {  	s26 =	simm.s32 $execute0_lowered;
	[smem:$0x3FD2] =	sst s25  }
0xac: {  	s5 =	sshll.u32 s26, $0x1;
	_ =	strace $0x80000046;
	[dreg:$0x1] =	wrdreg $0xFFFFFFFF  }
0xad: {  	s28 =	simm.s32 $_size_execute0_lowered;
	s3 =	sadd.s32 s3, s5;
	[dreg:$0x0] =	wrdreg $0x0  }
0xae: {  	s5 =	sshll.u32 s28, $0x1;
	[dreg:$0x2] =	wrdreg s3  }
0xaf: {  	[dreg:$0x3] =	wrdreg s5  }
0xb0: {  	[dreg:$0x4] =	wrdreg $0xC0  }
0xb1: {  	_ =	task [dreg:s7], $0x5FFFF  }
0xb2: {  	[dreg:$0x1] =	wrdreg $0xFFFFFFFF  }
0xb3: {  	[dreg:$0x0] =	wrdreg $0x60  }
0xb4: {  	[dreg:$0x2] =	wrdreg s24  }
0xb5: {  	[dreg:$0x3] =	wrdreg s16  }
0xb6: {  	[dreg:$0x4] =	wrdreg $0x9  }
0xb7: {  	_ =	task.clear_ibuf [dreg:s7], $0x5FFFF;
	_ =	strace $0x90000046  }
0xb8: {  	s29 =	simm.s32 $0x9;
	_ =	strace $0x80000048  }
0xb9: {  	_ =	swait.ge [sflag:s29], $0x1  }
0xba: {  	[sflag:s29] =	ssyncadd.s32 $0xFFFFFFFF  }
0xbb: {  	_ =	strace $0x90000048  }
0xbc: {  	_ =	sfence  }
0xbd: {  	s30 =	sld [smem:$0x0];
	_ =	sdelay $0x2  }
0xbe: {  	s31 =	sshll.u32 s1, $0xD;
	s1 =	sshrl.u32 s1, $0x2  }
0xbf: {  	s3 =	sand.u32 $0x4000, s31;
	s1 =	sadd.s32 s1, s30  }
0xc0: {  	s0 =	sor.u32 s3, s0;
	s1 =	sshll.u32 s1, $0x11  }
0xc1: {  	s0 =	sor.u32 s1, s0  }
0xc2: {  	s0 =	sadd.s32 $0x8F2B, s0  }
0xc3: {  	[sflag:s0] =	ssyncadd.remote.s32 $0x1  }
0xc4: {  	_ =	sfence.sel $0xFFFF  }
0xc5: {  	[dreg:$0x0] =	wrdreg $0xFFFFFFFF;
	(pc) =	sbr.abs _section_cstart, $3  }
0xc6: {  	[dreg:$0x1] =	wrdreg $0xFFFFFFFF  }
0xc7: {  	_ =	task.clear_ibuf [dreg:s7], $0x2FFFF;
	_ =	strace $0x9FFFFFFF  }
0xc8: {  	(tm) =	ssettm $0x7FFFFFFF  }
0xc9: {  	_ =	shalt  }
tec
execute0_lowered:
.L_overlay_start_1:
0x0: {  	(tag) =	ssettag $0x1  }
0x1: {  	s4 =	rddreg [dreg:$0x0];
	s1 =	srdreg.scid  }
0x2: {  	s0 =	stileid.u32;
	s7 =	rddreg [dreg:$0x1]  }
0x3: {  	s2 =	simm.s32 $0x0;
	s12 =	simm.s32 $0x7680;
	s13 =	simm.s32 $0x1  }
0x4: {  	s14 =	simm.s32 $0x2;
	s15 =	simm.s32 $0x3;
	s16 =	simm.s32 $0x4  }
0x5: {  	s17 =	simm.s32 $0x8A80;
	s18 =	simm.s32 $0x5;
	s19 =	simm.s32 $0x9E80  }
0x6: {  	s5 =	sand.u32 $0x1, s1;
	s3 =	sshll.u32 s0, $0x1;
	s1 =	rddreg [dreg:$0x2]  }
0x7: {  	s20 =	simm.s32 $0x0;
	[smem:$0x7FF] =	sst s2;
	s6 =	sor.u32 s5, s3  }
0x8: {  	_ =	strace $0x80000047;
	s5 =	ssub.s32 $0x2, s5;
	s8 =	smul.u32 $0x1388, s6  }
0x9: {  	s3 =	sadd.s32 $0xC00, s4;
	s6 =	sshll.u32 s6, $0x1;
	s31 =	sshrl.u32 s5, $0x1  }
0xa: {  	s10 =	sadd.s32 s6, s4;
	s11 =	ssub.s32 s5, s31;
	s8 =	sshrl.u32 s8, $0x3  }
0xb: {  	s9 =	sadd.s32 s8, s4;
	s7 =	sadd.s32 s7, s8;
	s8 =	sadd.s32 $0x10400, s10  }
0xc: {  	s10 =	simm.s32 $0x4E80;
	s4 =	sadd.s32 $0x6600, s9;
	s5 =	sadd.s32 $0xB420, s9  }
0xd: {  	vm0 =	vmmov $0xff;
	s6 =	sadd.s32 $0x1600, s9;
	s9 =	smax.u32 s11, $0x1;
	s11 =	simm.s32 $0x6280  }
.LBB2_1:
0xe: {  	[tilespmem:s2], [sflag:$0x1] =	stream.linear.gather [hbm4b:s3+s2], $0x4E80, $0x38;
	[tilespmem:$0x9F00] =	vst v63  }
0xf: {  	_ = 	snop  }
0x10: {  	[tilespmem:s10], [sflag:$0x2] =	stream.linear.gather [hbm4b:s4+s2], $0x1388, $0x38;
	[tilespmem:$0x9F00] =	vst v63  }
0x11: {  	_ = 	snop  }
0x12: {  	[tilespmem:s11], [sflag:$0x3] =	stream.linear.gather [hbm4b:s5+s2], $0x1388, $0x38;
	[tilespmem:$0x9F00] =	vst v63  }
0x13: {  	_ = 	snop  }
0x14: {  	[tilespmem:s12], [sflag:$0x4] =	stream.linear.gather [hbm4b:s6+s2], $0x1388, $0x38;
	[tilespmem:$0x9F00] =	vst v63  }
0x15: {  	_ =	swait.ge [sflag:s13], $0x4E80  }
0x16: {  	[sflag:s13] =	ssyncset.done $0x0  }
0x17: {  	[sflag:s13] =	ssyncadd.s32 $0xFFFFB180  }
0x18: {  	_ =	swait.ge [sflag:s14], $0x1388  }
0x19: {  	[sflag:s14] =	ssyncset.done $0x0  }
0x1a: {  	[sflag:s14] =	ssyncadd.s32 $0xFFFFEC78  }
0x1b: {  	_ =	swait.ge [sflag:s15], $0x1388  }
0x1c: {  	[sflag:s15] =	ssyncset.done $0x0  }
0x1d: {  	[sflag:s15] =	ssyncadd.s32 $0xFFFFEC78  }
0x1e: {  	_ =	swait.ge [sflag:s16], $0x1388  }
0x1f: {  	[sflag:s16] =	ssyncset.done $0x0  }
0x20: {  	s21 =	simm.s32 $0x0;
	[sflag:s16] =	ssyncadd.s32 $0xFFFFEC78  }
0x21: {  	v0 =	vld [tilespmem:s21+$0x6280]  }
0x22: {  	v1 =	vld [tilespmem:s21+$0x4E80];
	_ =	sdelay $0x4  }
0x23: {  	v2 =	vmul.u32 $0x10625, v0;
	v3 =	vmul.u32 $0x10625, v1;
	_ =	sdelay $0x1  }
0x24: {  	v2 =	vshra.s32 v2, $0x1A;
	v3 =	vshra.s32 v3, $0x1A  }
0x25: {  	v2 =	vmul.u32 $0x3E8, v2;
	v3 =	vmul.u32 $0x3E8, v3;
	_ =	sdelay $0x1  }
0x26: {  	v0 =	vadd.s32 v2, v0;
	v1 =	vadd.s32 v1, v3  }
0x27: {  	v0 =	vadd.s32 $0x3E8, v0;
	_ =	sdelay $0x3  }
0x28: {  	v1 =	vld.idx.msk [tilespmem:v1+s2+$0x0], $0xffff  }
0x29: {  	v0 =	vld.idx.msk [tilespmem:v0+s2+$0x0], $0xffff;
	_ =	sdelay $0x1  }
0x2a: {  	v2 =	vld [tilespmem:s21+$0x7680];
	_ =	sdelay $0x2  }
0x2b: {  	v0 =	vadd.f32 v0, v1;
	_ =	sdelay $0x1  }
0x2c: {  	v0 =	vadd.f32 v2, v0;
	_ =	sdelay $0x1  }
0x2d: {  	v0 =	vadd.f32 v0, v0;
	_ =	sdelay $0x1  }
0x2e: {  	v0 =	vsub.f32 $0.0e+00, v0;
	_ =	sdelay $0x1  }
0x2f: {  	v0 =	vmul.f32 $1.442695020e+00, v0;
	_ =	sdelay $0x1  }
0x30: {  	(erf) = vpow2.f32 v0;
	_ =	sdelay $0x6  }
0x31: {  	v1 =	vld [tilespmem:s21+$0x6290]  }
0x32: {  	v0 =	vld [tilespmem:s21+$0x4E90]  }
0x33: {  	v2 =	vpop (erf)  }
0x34: {  	v2 =	vadd.f32 $1.000000000e+00, v2;
	_ =	sdelay $0x1  }
0x35: {  	(erf) = vrcp.f32 v2  }
0x36: {  	v3 =	vmul.u32 $0x10625, v1;
	v2 =	vmul.u32 $0x10625, v0;
	_ =	sdelay $0x1  }
0x37: {  	v3 =	vshra.s32 v3, $0x1A;
	v2 =	vshra.s32 v2, $0x1A  }
0x38: {  	v3 =	vmul.u32 $0x3E8, v3;
	v2 =	vmul.u32 $0x3E8, v2;
	_ =	sdelay $0x1  }
0x39: {  	v1 =	vadd.s32 v3, v1;
	v0 =	vadd.s32 v0, v2  }
0x3a: {  	v1 =	vadd.s32 $0x3E8, v1;
	_ =	sdelay $0x1  }
0x3b: {  	v6 =	vpop (erf)  }
0x3c: {  	[tilespmem:s21+$0x8A80] =	vst v6  }
0x3d: {  	v0 =	vld.idx.msk [tilespmem:v0+s2+$0x0], $0xffff  }
0x3e: {  	v1 =	vld.idx.msk [tilespmem:v1+s2+$0x0], $0xffff;
	_ =	sdelay $0x1  }
0x3f: {  	v7 =	vld [tilespmem:s21+$0x7690];
	_ =	sdelay $0x2  }
0x40: {  	v0 =	vadd.f32 v1, v0;
	_ =	sdelay $0x1  }
0x41: {  	v0 =	vadd.f32 v7, v0;
	_ =	sdelay $0x1  }
0x42: {  	v0 =	vadd.f32 v0, v0;
	_ =	sdelay $0x1  }
0x43: {  	v0 =	vsub.f32 $0.0e+00, v0;
	_ =	sdelay $0x1  }
0x44: {  	v0 =	vmul.f32 $1.442695020e+00, v0;
	_ =	sdelay $0x1  }
0x45: {  	(erf) = vpow2.f32 v0;
	_ =	sdelay $0x6  }
0x46: {  	v4 =	vld [tilespmem:s21+$0x4EA0]  }
0x47: {  	v2 =	vld [tilespmem:s21+$0x62A0]  }
0x48: {  	v0 =	vpop (erf)  }
0x49: {  	v0 =	vadd.f32 $1.000000000e+00, v0;
	_ =	sdelay $0x1  }
0x4a: {  	(erf) = vrcp.f32 v0  }
0x4b: {  	v1 =	vmul.u32 $0x10625, v2;
	v0 =	vmul.u32 $0x10625, v4;
	_ =	sdelay $0x1  }
0x4c: {  	v1 =	vshra.s32 v1, $0x1A;
	v0 =	vshra.s32 v0, $0x1A  }
0x4d: {  	v1 =	vmul.u32 $0x3E8, v1;
	v0 =	vmul.u32 $0x3E8, v0;
	_ =	sdelay $0x1  }
0x4e: {  	v1 =	vadd.s32 v1, v2;
	v0 =	vadd.s32 v4, v0  }
0x4f: {  	v1 =	vadd.s32 $0x3E8, v1;
	_ =	sdelay $0x1  }
0x50: {  	v2 =	vpop (erf)  }
0x51: {  	[tilespmem:s21+$0x8A90] =	vst v2  }
0x52: {  	v0 =	vld.idx.msk [tilespmem:v0+s2+$0x0], $0xffff  }
0x53: {  	v1 =	vld.idx.msk [tilespmem:v1+s2+$0x0], $0xffff;
	_ =	sdelay $0x1  }
0x54: {  	v4 =	vld [tilespmem:s21+$0x76A0];
	_ =	sdelay $0x2  }
0x55: {  	v0 =	vadd.f32 v1, v0;
	_ =	sdelay $0x1  }
0x56: {  	v0 =	vadd.f32 v4, v0;
	_ =	sdelay $0x1  }
0x57: {  	v0 =	vadd.f32 v0, v0;
	_ =	sdelay $0x1  }
0x58: {  	v0 =	vsub.f32 $0.0e+00, v0;
	_ =	sdelay $0x1  }
0x59: {  	v0 =	vmul.f32 $1.442695020e+00, v0;
	_ =	sdelay $0x1  }
0x5a: {  	(erf) = vpow2.f32 v0;
	_ =	sdelay $0x6  }
0x5b: {  	v5 =	vld [tilespmem:s21+$0x4EB0]  }
0x5c: {  	v3 =	vld [tilespmem:s21+$0x62B0]  }
0x5d: {  	v0 =	vpop (erf)  }
0x5e: {  	v0 =	vadd.f32 $1.000000000e+00, v0;
	_ =	sdelay $0x1  }
0x5f: {  	(erf) = vrcp.f32 v0  }
0x60: {  	v1 =	vmul.u32 $0x10625, v3;
	v0 =	vmul.u32 $0x10625, v5;
	_ =	sdelay $0x1  }
0x61: {  	v1 =	vshra.s32 v1, $0x1A;
	v0 =	vshra.s32 v0, $0x1A  }
0x62: {  	v1 =	vmul.u32 $0x3E8, v1;
	v0 =	vmul.u32 $0x3E8, v0;
	_ =	sdelay $0x1  }
0x63: {  	v1 =	vadd.s32 v1, v3;
	v0 =	vadd.s32 v5, v0  }
0x64: {  	v3 =	vadd.s32 $0x3E8, v1;
	_ =	sdelay $0x1  }
0x65: {  	v1 =	vpop (erf)  }
0x66: {  	[tilespmem:s21+$0x8AA0] =	vst v1  }
0x67: {  	v0 =	vld.idx.msk [tilespmem:v0+s2+$0x0], $0xffff  }
0x68: {  	v3 =	vld.idx.msk [tilespmem:v3+s2+$0x0], $0xffff;
	_ =	sdelay $0x1  }
0x69: {  	v4 =	vld [tilespmem:s21+$0x76B0];
	_ =	sdelay $0x2  }
0x6a: {  	v0 =	vadd.f32 v3, v0;
	_ =	sdelay $0x1  }
0x6b: {  	v0 =	vadd.f32 v4, v0;
	_ =	sdelay $0x1  }
0x6c: {  	v0 =	vadd.f32 v0, v0;
	_ =	sdelay $0x1  }
0x6d: {  	v0 =	vsub.f32 $0.0e+00, v0;
	_ =	sdelay $0x1  }
0x6e: {  	v0 =	vmul.f32 $1.442695020e+00, v0;
	_ =	sdelay $0x1  }
0x6f: {  	(erf) = vpow2.f32 v0;
	_ =	sdelay $0x4  }
0x70: {  	s24 =	simm.s32 $0x40  }
0x71: {  	v9 =	vld [tilespmem:s24+$0x4E80]  }
0x72: {  	v4 =	vld [tilespmem:s24+$0x6280]  }
0x73: {  	v8 =	vld [tilespmem:s24+$0x4E90]  }
0x74: {  	v0 =	vpop (erf)  }
0x75: {  	v5 =	vld [tilespmem:s24+$0x6290];
	v3 =	vimm.f32 $0.0e+00;
	v0 =	vadd.f32 $1.000000000e+00, v0  }
0x76: {  	v7 =	vld [tilespmem:s24+$0x4EA0];
	v3 =	vadd.f32 v6, v3  }
0x77: {  	v10 =	vmul.u32 $0x10625, v4;
	(erf) = vrcp.f32 v0;
	v0 =	vmul.u32 $0x10625, v9  }
0x78: {  	v11 =	vmul.u32 $0x10625, v8  }
0x79: {  	v6 =	vld [tilespmem:s24+$0x62A0];
	v2 =	vadd.f32 v2, v3;
	v10 =	vshra.s32 v10, $0x1A;
	v3 =	vshra.s32 v0, $0x1A  }
0x7a: {  	v14 =	vmul.u32 $0x10625, v5;
	v13 =	vmul.u32 $0x3E8, v10;
	v12 =	vmul.u32 $0x3E8, v3;
	v3 =	vld [tilespmem:s24+$0x4EB0]  }
0x7b: {  	v11 =	vshra.s32 v11, $0x1A;
	v10 =	vmul.u32 $0x10625, v7  }
0x7c: {  	s22 =	simm.s32 $0x200;
	v11 =	vmul.u32 $0x3E8, v11;
	v13 =	vadd.s32 v13, v4;
	v4 =	vshra.s32 v14, $0x1A;
	v0 =	vld [tilespmem:s24+$0x62B0]  }
.LBB2_2:
0x7d: {  	p0 =	sne.s32 s22, $0x4D00;
	v9 =	vadd.s32 v9, v12;
	v12 =	vadd.s32 $0x3E8, v13;
	v10 =	vshra.s32 v10, $0x1A;
	s23 =	smov.u32 s22;
	s22 =	sadd.s32 $0x100, s22  }
0x7e: {  	v1 =	vadd.f32 v1, v2;
	v8 =	vadd.s32 v8, v11;
	v13 =	vmul.u32 $0x3E8, v10  }
0x7f: {  	v2 =	vmul.u32 $0x10625, v6;
	v11 =	vmul.u32 $0x10625, v3  }
0x80: {  	v7 =	vadd.s32 v7, v13;
	v10 =	vpop (erf)  }
0x81: {  	v13 =	vshra.s32 v2, $0x1A;
	v11 =	vshra.s32 v11, $0x1A;
	[tilespmem:s21+$0x8AB0] =	vst v10;
	v2 =	vadd.f32 v10, v1;
	s21 =	smov.u32 s24  }
0x82: {  	v10 =	vmul.u32 $0x3E8, v13;
	v11 =	vmul.u32 $0x3E8, v11;
	v1 =	vld.idx.msk [tilespmem:v12+s2+$0x0], $0xffff  }
0x83: {  	v9 =	vld.idx.msk [tilespmem:v9+s2+$0x0], $0xffff  }
0x84: {  	v6 =	vadd.s32 v10, v6;
	v3 =	vadd.s32 v3, v11;
	_ =	sdelay $0x1  }
0x85: {  	v10 =	vld [tilespmem:s21+$0x7680];
	_ =	sdelay $0x2  }
0x86: {  	v1 =	vadd.f32 v1, v9;
	_ =	sdelay $0x1  }
0x87: {  	v1 =	vadd.f32 v10, v1;
	_ =	sdelay $0x1  }
0x88: {  	v1 =	vadd.f32 v1, v1;
	_ =	sdelay $0x1  }
0x89: {  	v1 =	vsub.f32 $0.0e+00, v1;
	_ =	sdelay $0x1  }
0x8a: {  	v1 =	vmul.f32 $1.442695020e+00, v1;
	_ =	sdelay $0x1  }
0x8b: {  	(erf) = vpow2.f32 v1;
	_ =	sdelay $0x8  }
0x8c: {  	v1 =	vpop (erf)  }
0x8d: {  	v1 =	vadd.f32 $1.000000000e+00, v1;
	_ =	sdelay $0x1  }
0x8e: {  	(erf) = vrcp.f32 v1;
	_ =	sdelay $0x3  }
0x8f: {  	v1 =	vmul.u32 $0x3E8, v4;
	_ =	sdelay $0x1  }
0x90: {  	v1 =	vadd.s32 v1, v5  }
0x91: {  	v1 =	vadd.s32 $0x3E8, v1;
	_ =	sdelay $0x1  }
0x92: {  	v4 =	vpop (erf)  }
0x93: {  	[tilespmem:s21+$0x8A80] =	vst v4  }
0x94: {  	v5 =	vld.idx.msk [tilespmem:v8+s2+$0x0], $0xffff  }
0x95: {  	v1 =	vld.idx.msk [tilespmem:v1+s2+$0x0], $0xffff;
	_ =	sdelay $0x2  }
0x96: {  	v8 =	vld [tilespmem:s21+$0x7690];
	_ =	sdelay $0x2  }
0x97: {  	v1 =	vadd.f32 v1, v5;
	_ =	sdelay $0x1  }
0x98: {  	v1 =	vadd.f32 v8, v1;
	_ =	sdelay $0x1  }
0x99: {  	v1 =	vadd.f32 v1, v1;
	_ =	sdelay $0x1  }
0x9a: {  	v1 =	vsub.f32 $0.0e+00, v1;
	_ =	sdelay $0x1  }
0x9b: {  	v1 =	vmul.f32 $1.442695020e+00, v1;
	_ =	sdelay $0x1  }
0x9c: {  	(erf) = vpow2.f32 v1;
	_ =	sdelay $0x8  }
0x9d: {  	v1 =	vpop (erf)  }
0x9e: {  	v1 =	vadd.f32 $1.000000000e+00, v1;
	_ =	sdelay $0x1  }
0x9f: {  	(erf) = vrcp.f32 v1;
	_ =	sdelay $0x6  }
0xa0: {  	v1 =	vadd.s32 $0x3E8, v6;
	_ =	sdelay $0x1  }
0xa1: {  	v10 =	vpop (erf)  }
0xa2: {  	[tilespmem:s21+$0x8A90] =	vst v10  }
0xa3: {  	v5 =	vld.idx.msk [tilespmem:v7+s2+$0x0], $0xffff  }
0xa4: {  	v1 =	vld.idx.msk [tilespmem:v1+s2+$0x0], $0xffff;
	_ =	sdelay $0x2  }
0xa5: {  	v6 =	vld [tilespmem:s21+$0x76A0];
	_ =	sdelay $0x2  }
0xa6: {  	v1 =	vadd.f32 v1, v5;
	_ =	sdelay $0x1  }
0xa7: {  	v1 =	vadd.f32 v6, v1;
	_ =	sdelay $0x1  }
0xa8: {  	v1 =	vadd.f32 v1, v1;
	_ =	sdelay $0x1  }
0xa9: {  	v1 =	vsub.f32 $0.0e+00, v1;
	_ =	sdelay $0x1  }
0xaa: {  	v1 =	vmul.f32 $1.442695020e+00, v1;
	_ =	sdelay $0x1  }
0xab: {  	(erf) = vpow2.f32 v1;
	_ =	sdelay $0x8  }
0xac: {  	v1 =	vpop (erf)  }
0xad: {  	v1 =	vadd.f32 $1.000000000e+00, v1;
	_ =	sdelay $0x1  }
0xae: {  	v5 =	vmul.u32 $0x10625, v0;
	(erf) = vrcp.f32 v1;
	_ =	sdelay $0x1  }
0xaf: {  	v1 =	vshra.s32 v5, $0x1A  }
0xb0: {  	v1 =	vmul.u32 $0x3E8, v1;
	_ =	sdelay $0x1  }
0xb1: {  	v0 =	vadd.s32 v1, v0  }
0xb2: {  	v0 =	vadd.s32 $0x3E8, v0;
	_ =	sdelay $0x2  }
0xb3: {  	v1 =	vpop (erf)  }
0xb4: {  	[tilespmem:s21+$0x8AA0] =	vst v1  }
0xb5: {  	v3 =	vld.idx.msk [tilespmem:v3+s2+$0x0], $0xffff  }
0xb6: {  	v0 =	vld.idx.msk [tilespmem:v0+s2+$0x0], $0xffff;
	_ =	sdelay $0x1  }
0xb7: {  	v5 =	vld [tilespmem:s21+$0x76B0];
	_ =	sdelay $0x3  }
0xb8: {  	v0 =	vadd.f32 v0, v3;
	_ =	sdelay $0x1  }
0xb9: {  	v0 =	vadd.f32 v5, v0;
	_ =	sdelay $0x1  }
0xba: {  	v0 =	vadd.f32 v0, v0;
	_ =	sdelay $0x1  }
0xbb: {  	v0 =	vsub.f32 $0.0e+00, v0;
	_ =	sdelay $0x1  }
0xbc: {  	v0 =	vmul.f32 $1.442695020e+00, v0;
	_ =	sdelay $0x1  }
0xbd: {  	(erf) = vpow2.f32 v0;
	_ =	sdelay $0x5  }
0xbe: {  	s24 =	sshra.s32 s23, $0x2  }
0xbf: {  	v11 =	vld [tilespmem:s24+$0x6280]  }
0xc0: {  	v9 =	vld [tilespmem:s24+$0x4E80]  }
0xc1: {  	v8 =	vld [tilespmem:s24+$0x4E90];
	v0 =	vpop (erf)  }
0xc2: {  	v5 =	vld [tilespmem:s24+$0x6290];
	v0 =	vadd.f32 $1.000000000e+00, v0  }
0xc3: {  	v7 =	vld [tilespmem:s24+$0x4EA0]  }
0xc4: {  	v2 =	vadd.f32 v4, v2;
	v3 =	vmul.u32 $0x10625, v11;
	v6 =	vld [tilespmem:s24+$0x62A0];
	(erf) = vrcp.f32 v0  }
.Ltmp0:
0xc5: {  	v4 =	vmul.u32 $0x10625, v9;
	v0 =	vld [tilespmem:s24+$0x62B0];
	(pc) =	sbr.rel @p0 .LBB2_2-.Ltmp0, $4  }
0xc6: {  	v2 =	vadd.f32 v10, v2;
	v12 =	vshra.s32 v3, $0x1A;
	v13 =	vmul.u32 $0x10625, v8;
	v3 =	vld [tilespmem:s24+$0x4EB0]  }
0xc7: {  	v4 =	vshra.s32 v4, $0x1A;
	v14 =	vmul.u32 $0x3E8, v12;
	v15 =	vmul.u32 $0x10625, v5  }
0xc8: {  	v12 =	vmul.u32 $0x3E8, v4;
	v16 =	vshra.s32 v13, $0x1A;
	v10 =	vmul.u32 $0x10625, v7  }
0xc9: {  	v13 =	vadd.s32 v14, v11;
	v4 =	vshra.s32 v15, $0x1A;
	v11 =	vmul.u32 $0x3E8, v16  }
0xca: {  	v13 =	vadd.s32 $0x3E8, v13  }
0xcb: {  	v9 =	vadd.s32 v9, v12;
	_ =	sdelay $0x1  }
0xcc: {  	v44 =	vpop (erf)  }
0xcd: {  	[tilespmem:s21+$0x8AB0] =	vst v44  }
0xce: {  	v13 =	vld.idx.msk [tilespmem:v13+s2+$0x0], $0xffff  }
0xcf: {  	v9 =	vld.idx.msk [tilespmem:v9+s2+$0x0], $0xffff;
	_ =	sdelay $0x1  }
0xd0: {  	v14 =	vld [tilespmem:s24+$0x7680];
	_ =	sdelay $0x2  }
0xd1: {  	v9 =	vadd.f32 v13, v9;
	_ =	sdelay $0x1  }
0xd2: {  	v9 =	vadd.f32 v14, v9;
	_ =	sdelay $0x1  }
0xd3: {  	v9 =	vadd.f32 v9, v9;
	_ =	sdelay $0x1  }
0xd4: {  	v9 =	vsub.f32 $0.0e+00, v9;
	_ =	sdelay $0x1  }
0xd5: {  	v9 =	vmul.f32 $1.442695020e+00, v9;
	_ =	sdelay $0x1  }
0xd6: {  	(erf) = vpow2.f32 v9;
	_ =	sdelay $0x8  }
0xd7: {  	v9 =	vpop (erf)  }
0xd8: {  	v9 =	vadd.f32 $1.000000000e+00, v9;
	_ =	sdelay $0x1  }
0xd9: {  	(erf) = vrcp.f32 v9;
	_ =	sdelay $0x3  }
0xda: {  	v4 =	vmul.u32 $0x3E8, v4;
	_ =	sdelay $0x1  }
0xdb: {  	v8 =	vadd.s32 v8, v11;
	v4 =	vadd.s32 v4, v5  }
0xdc: {  	v4 =	vadd.s32 $0x3E8, v4;
	_ =	sdelay $0x1  }
0xdd: {  	v45 =	vpop (erf)  }
0xde: {  	[tilespmem:s24+$0x8A80] =	vst v45  }
0xdf: {  	v8 =	vld.idx.msk [tilespmem:v8+s2+$0x0], $0xffff  }
0xe0: {  	v4 =	vld.idx.msk [tilespmem:v4+s2+$0x0], $0xffff;
	_ =	sdelay $0x1  }
0xe1: {  	v46 =	vld [tilespmem:s24+$0x7690];
	_ =	sdelay $0x2  }
0xe2: {  	v4 =	vadd.f32 v4, v8;
	_ =	sdelay $0x1  }
0xe3: {  	v4 =	vadd.f32 v46, v4;
	_ =	sdelay $0x1  }
0xe4: {  	v4 =	vadd.f32 v4, v4;
	_ =	sdelay $0x1  }
0xe5: {  	v4 =	vsub.f32 $0.0e+00, v4;
	_ =	sdelay $0x1  }
0xe6: {  	v4 =	vmul.f32 $1.442695020e+00, v4;
	_ =	sdelay $0x1  }
0xe7: {  	(erf) = vpow2.f32 v4;
	_ =	sdelay $0x8  }
0xe8: {  	v4 =	vpop (erf)  }
0xe9: {  	v4 =	vadd.f32 $1.000000000e+00, v4;
	_ =	sdelay $0x1  }
0xea: {  	(erf) = vrcp.f32 v4  }
0xeb: {  	v47 =	vmul.u32 $0x10625, v6;
	_ =	sdelay $0x1  }
0xec: {  	v48 =	vshra.s32 v10, $0x1A;
	v4 =	vshra.s32 v47, $0x1A  }
0xed: {  	v8 =	vmul.u32 $0x3E8, v48;
	v4 =	vmul.u32 $0x3E8, v4;
	_ =	sdelay $0x1  }
0xee: {  	v7 =	vadd.s32 v7, v8;
	v4 =	vadd.s32 v4, v6  }
0xef: {  	v4 =	vadd.s32 $0x3E8, v4;
	_ =	sdelay $0x1  }
0xf0: {  	v49 =	vpop (erf)  }
0xf1: {  	[tilespmem:s24+$0x8A90] =	vst v49  }
0xf2: {  	v7 =	vld.idx.msk [tilespmem:v7+s2+$0x0], $0xffff  }
0xf3: {  	v4 =	vld.idx.msk [tilespmem:v4+s2+$0x0], $0xffff;
	_ =	sdelay $0x1  }
0xf4: {  	v50 =	vld [tilespmem:s24+$0x76A0];
	_ =	sdelay $0x2  }
0xf5: {  	v4 =	vadd.f32 v4, v7;
	_ =	sdelay $0x1  }
0xf6: {  	v4 =	vadd.f32 v50, v4;
	_ =	sdelay $0x1  }
0xf7: {  	v4 =	vadd.f32 v4, v4;
	_ =	sdelay $0x1  }
0xf8: {  	v4 =	vsub.f32 $0.0e+00, v4;
	_ =	sdelay $0x1  }
0xf9: {  	v4 =	vmul.f32 $1.442695020e+00, v4;
	_ =	sdelay $0x1  }
0xfa: {  	(erf) = vpow2.f32 v4;
	_ =	sdelay $0x8  }
0xfb: {  	v4 =	vpop (erf)  }
0xfc: {  	v4 =	vadd.f32 $1.000000000e+00, v4;
	_ =	sdelay $0x1  }
0xfd: {  	(erf) = vrcp.f32 v4  }
0xfe: {  	v52 =	vmul.u32 $0x10625, v0;
	v51 =	vmul.u32 $0x10625, v3;
	_ =	sdelay $0x1  }
0xff: {  	v7 =	vshra.s32 v52, $0x1A;
	v4 =	vshra.s32 v51, $0x1A  }
0x100: {  	v7 =	vmul.u32 $0x3E8, v7;
	v4 =	vmul.u32 $0x3E8, v4;
	_ =	sdelay $0x1  }
0x101: {  	v54 =	vadd.s32 v7, v0;
	v53 =	vadd.s32 v3, v4  }
0x102: {  	v0 =	vadd.s32 $0x3E8, v54;
	_ =	sdelay $0x1  }
0x103: {  	v55 =	vpop (erf)  }
0x104: {  	[tilespmem:s24+$0x8AA0] =	vst v55  }
0x105: {  	v3 =	vld.idx.msk [tilespmem:v53+s2+$0x0], $0xffff  }
0x106: {  	v0 =	vld.idx.msk [tilespmem:v0+s2+$0x0], $0xffff;
	_ =	sdelay $0x1  }
0x107: {  	v56 =	vld [tilespmem:s24+$0x76B0];
	_ =	sdelay $0x2  }
0x108: {  	v0 =	vadd.f32 v0, v3;
	_ =	sdelay $0x1  }
0x109: {  	v0 =	vadd.f32 v56, v0;
	_ =	sdelay $0x1  }
0x10a: {  	v0 =	vadd.f32 v0, v0;
	_ =	sdelay $0x1  }
0x10b: {  	v0 =	vsub.f32 $0.0e+00, v0;
	_ =	sdelay $0x1  }
0x10c: {  	v0 =	vmul.f32 $1.442695020e+00, v0;
	_ =	sdelay $0x1  }
0x10d: {  	(erf) = vpow2.f32 v0;
	_ =	sdelay $0x8  }
0x10e: {  	v0 =	vpop (erf)  }
0x10f: {  	v0 =	vadd.f32 $1.000000000e+00, v0;
	_ =	sdelay $0x1  }
0x110: {  	(erf) = vrcp.f32 v0;
	_ =	sdelay $0x8  }
0x111: {  	v0 =	vpop (erf)  }
0x112: {  	[tilespmem:s24+$0x8AB0] =	vst v0  }
0x113: {  	v57 =	vld [tilespmem:$0x61F8]  }
0x114: {  	v58 =	vld [tilespmem:$0x75F8];
	_ =	sdelay $0x4  }
0x115: {  	v59 =	vmul.u32 $0x10625, v57;
	v60 =	vmul.u32 $0x10625, v58;
	_ =	sdelay $0x1  }
0x116: {  	v8 =	vshra.s32 v59, $0x1A;
	v9 =	vshra.s32 v60, $0x1A  }
0x117: {  	v8 =	vmul.u32 $0x3E8, v8;
	v9 =	vmul.u32 $0x3E8, v9;
	_ =	sdelay $0x1  }
0x118: {  	v3 =	vadd.s32 v57, v8;
	v7 =	vadd.s32 v9, v58  }
0x119: {  	v7 =	vadd.s32 $0x3E8, v7;
	_ =	sdelay $0x3  }
0x11a: {  	v3 =	vld.idx.msk [tilespmem:v3+s2+$0x0], $0xffff  }
0x11b: {  	v7 =	vld.idx.msk [tilespmem:v7+s2+$0x0], $0xffff;
	_ =	sdelay $0x1  }
0x11c: {  	v61 =	vld [tilespmem:$0x89F8];
	_ =	sdelay $0x2  }
0x11d: {  	v3 =	vadd.f32 v7, v3;
	_ =	sdelay $0x1  }
0x11e: {  	v3 =	vadd.f32 v61, v3;
	_ =	sdelay $0x1  }
0x11f: {  	v3 =	vadd.f32 v3, v3;
	_ =	sdelay $0x1  }
0x120: {  	v3 =	vsub.f32 $0.0e+00, v3;
	_ =	sdelay $0x1  }
0x121: {  	v3 =	vmul.f32 $1.442695020e+00, v3;
	_ =	sdelay $0x1  }
0x122: {  	(erf) = vpow2.f32 v3;
	_ =	sdelay $0x8  }
0x123: {  	v3 =	vpop (erf)  }
0x124: {  	v3 =	vadd.f32 $1.000000000e+00, v3  }
0x125: {  	v1 =	vadd.f32 v1, v2  }
0x126: {  	(erf) = vrcp.f32 v3  }
0x127: {  	v1 =	vadd.f32 v44, v1;
	_ =	sdelay $0x1  }
0x128: {  	v1 =	vadd.f32 v45, v1;
	_ =	sdelay $0x1  }
0x129: {  	v1 =	vadd.f32 v49, v1;
	_ =	sdelay $0x1  }
0x12a: {  	v1 =	vadd.f32 v55, v1;
	_ =	sdelay $0x1  }
0x12b: {  	v0 =	vadd.f32 v0, v1;
	v62 =	vpop (erf)  }
0x12c: {  	v63 =	vsel vm0, $0x0, v62  }
0x12d: {  	v0 =	vadd.f32 v63, v0  }
0x12e: {  	[tilespmem:$0x9DF8] =	vst v62  }
0x12f: {  	[tilespmem:$0x9E80] =	vst v0  }
0x130: {  	[hbm4b:s7+s2] =	stream.linear.scatter [tilespmem:s17], [sflag:$0x5], $0x1388, $0x38;
	[tilespmem:$0x9F00] =	vst v63  }
0x131: {  	s20 =	sadd.s32 $0x1, s20;
	_ =	swait.ge [sflag:s18], $0x1388  }
0x132: {  	p0 =	sne.s32 s20, s9;
	[sflag:s18] =	ssyncset.done $0x0  }
.Ltmp1:
0x133: {  	[sflag:s18] =	ssyncadd.s32 $0xFFFFEC78;
	(pc) =	sbr.rel @p0 .LBB2_1-.Ltmp1, $4  }
0x134: {  	[hbm4b:s8+s2] =	stream.linear.scatter [tilespmem:s19], [sflag:$0x5], $0x10, $0x38;
	[tilespmem:$0x9F00] =	vst v63  }
0x135: {  	_ =	swait.ge [sflag:s18], $0x10  }
0x136: {  	[sflag:s18] =	ssyncset.done $0x0  }
0x137: {  	[sflag:s18] =	ssyncadd.s32 $0xFFFFFFF0  }
0x138: {  	_ =	sfence.sel $0x180000  }
0x139: {  	[bflag:$0x0] =	sbarrier.arrive $0xFFFF  }
0x13a: {  	p0 =	sne.s32 s0, $0x0;
	_ =	strace $0x90000047  }
0x13b: {  	s0 =	sadd.s32 @!p0 $0x100000, s1;
	[bflag:$0x2] =	sbarrier.arrive $0xFFFF  }
0x13c: {  	[sflag:s0] =	ssyncadd.tile.s32 @!p0 $0x1;
	_ =	shalt  }
.Lfunc_end2:
_tile_overlayer_lowered:
.L_overlay_start_2:
0x13d: {  	(tag) =	ssettag $0x2  }
0x13e: {  	s0 =	rddreg [dreg:$0x0];
	s2 =	stileid.u32  }
0x13f: {  	s1 =	rddreg [dreg:$0x1];
	p0 =	sne.s32 s2, $0x0  }
0x140: {  	s3 =	rddreg [dreg:$0x2];
	[bflag:$0x3] =	sbarrier.arrive $0xFFFF;
	s2 =	simm.s32 @!p0 $0x1C05  }
0x141: {  	[timem:s3], [sflag:s2] =	dma.local @!p0 [hbm:s0], s1  }
0x142: {  	s0 =	simm.s32 @!p0 $0x5  }
0x143: {  	_ =	swait.ge @!p0 [sflag:s0], s1  }
0x144: {  	s1 =	ssub.s32 @!p0 $0x0, s1;
	[sflag:s0] =	ssyncset.done @!p0 $0x0  }
0x145: {  	[sflag:s0] =	ssyncadd.s32 @!p0 s1  }
0x146: {  	[bflag:$0x3] =	sbarrier.arrive $0xFFFF  }
0x147: {  	_ =	shalt  }

</sc_bundles>
